<compile_context>
chip_gen: v7x
topology: tpu7x:2x2x1
jax: 0.10.2.dev20260603
libtpu: 0.0.44.dev20260713+nightly
codegen_flags: <defaults>
</compile_context>

<pallas_src>
import functools

import jax
import jax.numpy as jnp
from jax import lax
from jax.experimental import pallas as pl
from jax.experimental.pallas import tpu as pltpu
from jax.experimental.pallas import tpu_sc as plsc

DIM = 768
E = 8
DFF = 1536
T = 2048
BLK = 128
NBLK = T // BLK + E
P = NBLK * BLK


def _cumsum_rows(x):
  n = x.shape[0]
  row = lax.broadcasted_iota(jnp.int32, x.shape, 0)
  s = 1
  while s < n:
    shifted = pltpu.roll(x, s, 0)
    x = x + jnp.where(row >= s, shifted, 0)
    s *= 2
  return x


def _cumsum_lanes(x):
  n = x.shape[1]
  col = lax.broadcasted_iota(jnp.int32, x.shape, 1)
  s = 1
  while s < n:
    shifted = pltpu.roll(x, s, 1)
    x = x + jnp.where(col >= s, shifted, 0)
    s *= 2
  return x


def _router_body(x_ref, rw_ref, dest_ref, w_ref, bmap_ref, aux_ref, lb_ref):
  xv = x_ref[...]
  rw = rw_ref[...]
  logits = lax.dot_general(xv, rw, (((1,), (1,)), ((), ())),
                           preferred_element_type=jnp.float32)
  m = jnp.max(logits, axis=1, keepdims=True)
  ex = jnp.exp(logits - m)
  probs = ex / jnp.sum(ex, axis=1, keepdims=True)
  pmax = jnp.max(probs, axis=1, keepdims=True)
  lane = lax.broadcasted_iota(jnp.int32, (T, E), 1)
  topi = jnp.min(jnp.where(probs == pmax, lane, E), axis=1, keepdims=True)
  w_ref[...] = jnp.broadcast_to(pmax / (pmax + 1e-6), (T, 128))

  onehot = (lane == topi).astype(jnp.int32)
  csum = _cumsum_rows(onehot)
  rank = jnp.sum((csum - onehot) * onehot, axis=1, keepdims=True)
  counts = jnp.sum(onehot, axis=0, keepdims=True)
  asz = ((counts + (BLK - 1)) // BLK) * BLK
  ends = _cumsum_lanes(asz)
  offs = ends - asz
  off_t = jnp.sum(offs * onehot, axis=1, keepdims=True)
  dest_ref[...] = off_t + rank

  bstart = lax.broadcasted_iota(jnp.int32, (NBLK, E), 0) * BLK
  bmap = jnp.sum((bstart >= jnp.broadcast_to(ends, (NBLK, E))).astype(jnp.int32),
                 axis=1, keepdims=True)
  bmap = jnp.minimum(bmap, E - 1)
  bmap_ref[...] = bmap

  rowb = lax.broadcasted_iota(jnp.int32, (NBLK, 1), 0)
  sw = ((bmap != pltpu.roll(bmap, 1, 0)) | (rowb == 0)).astype(jnp.int32)
  runidx = _cumsum_rows(sw) - 1
  buf = lax.rem(runidx, 2)
  lane_e = lax.broadcasted_iota(jnp.int32, (1, E), 1)
  is_run_val = (asz > 0)
  cand = jnp.where(is_run_val & (lane_e > bmap), lane_e, 99)
  nxt = jnp.min(cand, axis=1, keepdims=True)
  do_pref = ((sw == 1) & (nxt < 99)).astype(jnp.int32)
  valid = (rowb * BLK < ends[:, E - 1:E]).astype(jnp.int32)
  aux_ref[...] = jnp.concatenate(
      [sw, buf, jnp.minimum(nxt, E - 1), do_pref, valid], axis=1)

  psum = jnp.sum(probs, axis=0, keepdims=True)
  frac = counts.astype(jnp.float32) / (jnp.float32(T) + 1e-6)
  lb_ref[...] = jnp.sum(frac * psum, keepdims=True).reshape(1, 1) * E


def _router(xf, router_w):
  return pl.pallas_call(
      _router_body,
      out_shape=(
          jax.ShapeDtypeStruct((T, 1), jnp.int32),
          jax.ShapeDtypeStruct((T, 128), jnp.float32),
          jax.ShapeDtypeStruct((NBLK, 1), jnp.int32),
          jax.ShapeDtypeStruct((NBLK, 5), jnp.int32),
          jax.ShapeDtypeStruct((1, 1), jnp.float32),
      ),
  )(xf, router_w)


def _ffn_body(bmap_ref, aux_ref, xs_ref, f1w_hbm, f1b_ref, gw_hbm, gb_ref,
              f2w_hbm, f2b_ref, ws_ref, o_ref, w1_v, wg_v, w2_v, sems):
  i = pl.program_id(0)
  rs = aux_ref[i, 0]
  b = aux_ref[i, 1]
  ne = aux_ref[i, 2]
  dp = aux_ref[i, 3]
  valid = aux_ref[i, 4]
  cur_e = bmap_ref[i]

  def copies(e, slot):
    return (
        pltpu.make_async_copy(f1w_hbm.at[e], w1_v.at[slot], sems.at[slot, 0]),
        pltpu.make_async_copy(gw_hbm.at[e], wg_v.at[slot], sems.at[slot, 1]),
        pltpu.make_async_copy(f2w_hbm.at[e], w2_v.at[slot], sems.at[slot, 2]),
    )

  @pl.when(i == 0)
  def _():
    for c in copies(cur_e, b):
      c.start()

  @pl.when((rs == 1) & (valid == 1))
  def _():
    @pl.when(dp == 1)
    def _():
      for c in copies(ne, 1 - b):
        c.start()

    for c in copies(cur_e, b):
      c.wait()

  @pl.when(valid == 1)
  def _():
    bf = jnp.bfloat16
    xb = xs_ref[...].astype(bf)
    nt = (((1,), (1,)), ((), ()))
    w1 = w1_v[pl.ds(b, 1)][0].astype(bf)
    wg = wg_v[pl.ds(b, 1)][0].astype(bf)
    w2 = w2_v[pl.ds(b, 1)][0].astype(bf)
    h = lax.dot_general(xb, w1, nt, preferred_element_type=jnp.float32)
    h = h + f1b_ref[0]
    g = lax.dot_general(xb, wg, nt, preferred_element_type=jnp.float32)
    g = g + gb_ref[0]
    a = g * jax.nn.sigmoid(g) * h
    o = lax.dot_general(a.astype(bf), w2, nt,
                        preferred_element_type=jnp.float32)
    o_ref[...] = (o + f2b_ref[0]) * ws_ref[...][:, 0:1]


def _ffn(bmap, aux, xs, fc1_w, fc1_b, gate_w, gate_b, fc2_w, fc2_b, ws8):
  grid_spec = pltpu.PrefetchScalarGridSpec(
      num_scalar_prefetch=2,
      grid=(NBLK,),
      in_specs=[
          pl.BlockSpec((BLK, DIM), lambda i, bm, ax: (i, 0)),
          pl.BlockSpec(memory_space=pl.MemorySpace.ANY),
          pl.BlockSpec((1, 1, DFF), lambda i, bm, ax: (bm[i], 0, 0)),
          pl.BlockSpec(memory_space=pl.MemorySpace.ANY),
          pl.BlockSpec((1, 1, DFF), lambda i, bm, ax: (bm[i], 0, 0)),
          pl.BlockSpec(memory_space=pl.MemorySpace.ANY),
          pl.BlockSpec((1, 1, DIM), lambda i, bm, ax: (bm[i], 0, 0)),
          pl.BlockSpec((BLK, 128), lambda i, bm, ax: (i, 0)),
      ],
      out_specs=pl.BlockSpec((BLK, DIM), lambda i, bm, ax: (i, 0)),
      scratch_shapes=[
          pltpu.VMEM((2, DFF, DIM), jnp.float32),
          pltpu.VMEM((2, DFF, DIM), jnp.float32),
          pltpu.VMEM((2, DIM, DFF), jnp.float32),
          pltpu.SemaphoreType.DMA((2, 3)),
      ],
  )
  return pl.pallas_call(
      _ffn_body,
      grid_spec=grid_spec,
      out_shape=jax.ShapeDtypeStruct((P, DIM), jnp.float32),
  )(bmap, aux, xs, fc1_w, fc1_b, gate_w, gate_b, fc2_w, fc2_b, ws8)


@functools.cache
def _sc_geometry():
  info = plsc.get_sparse_core_info()
  nc, ns = info.num_cores, info.num_subcores
  return nc, ns, T // (nc * ns)


def _dispatch(xf, dest, wrow):
  _NC, _NS, _CHUNK = _sc_geometry()
  mesh = plsc.VectorSubcoreMesh(core_axis_name="c", subcore_axis_name="s")

  @functools.partial(
      pl.kernel,
      mesh=mesh,
      out_type=(
          jax.ShapeDtypeStruct((P, DIM), jnp.float32),
          jax.ShapeDtypeStruct((P, 128), jnp.float32),
      ),
      scratch_types=[
          pltpu.VMEM((_CHUNK,), jnp.int32),
          pltpu.VMEM((_CHUNK, DIM), jnp.float32),
          pltpu.VMEM((_CHUNK, 128), jnp.float32),
          pltpu.SemaphoreType.DMA,
          pltpu.SemaphoreType.DMA,
      ],
  )
  def k(x_hbm, dest_hbm, w_hbm, xs_hbm, ws8_hbm, idx_v, rows_v, wrows_v, sem,
        sem2):
    wid = lax.axis_index("s") * _NC + lax.axis_index("c")
    base = wid * _CHUNK
    pltpu.sync_copy(dest_hbm.at[pl.ds(base, _CHUNK)], idx_v)
    pltpu.sync_copy(x_hbm.at[pl.ds(base, _CHUNK)], rows_v)
    pltpu.sync_copy(w_hbm.at[pl.ds(base, _CHUNK)], wrows_v)
    c1 = pltpu.async_copy(rows_v, xs_hbm.at[idx_v], sem)
    c2 = pltpu.async_copy(wrows_v, ws8_hbm.at[idx_v], sem2)
    c1.wait()
    c2.wait()

  return k(xf, dest, wrow)


def _combine(ys, dest):
  _NC, _NS, _CHUNK = _sc_geometry()
  mesh = plsc.VectorSubcoreMesh(core_axis_name="c", subcore_axis_name="s")

  @functools.partial(
      pl.kernel,
      mesh=mesh,
      out_type=jax.ShapeDtypeStruct((T, DIM), jnp.float32),
      scratch_types=[
          pltpu.VMEM((_CHUNK,), jnp.int32),
          pltpu.VMEM((_CHUNK, DIM), jnp.float32),
          pltpu.SemaphoreType.DMA,
      ],
  )
  def k(ys_hbm, dest_hbm, out_hbm, idx_v, rows_v, sem):
    wid = lax.axis_index("s") * _NC + lax.axis_index("c")
    base = wid * _CHUNK
    pltpu.sync_copy(dest_hbm.at[pl.ds(base, _CHUNK)], idx_v)
    pltpu.async_copy(ys_hbm.at[idx_v], rows_v, sem).wait()
    pltpu.sync_copy(rows_v, out_hbm.at[pl.ds(base, _CHUNK)])

  return k(ys, dest)


def kernel(x, router_w, fc1_w, fc1_b, gate_w, gate_b, fc2_w, fc2_b):
  Bq, Nq, C = x.shape
  xf = x.reshape(T, DIM)
  dest2d, wrow, bmap2d, aux, lb2d = _router(xf, router_w)
  dest = dest2d.reshape(T)
  bmap = bmap2d.reshape(NBLK)
  xs, ws8 = _dispatch(xf, dest, wrow)
  ys = _ffn(bmap, aux, xs, fc1_w, fc1_b.reshape(E, 1, DFF), gate_w,
            gate_b.reshape(E, 1, DFF), fc2_w, fc2_b.reshape(E, 1, DIM), ws8)
  out = _combine(ys, dest)
  return out.reshape(Bq, Nq, C), lb2d.reshape(())

# --- scband reference (transcript-rebuilt; emitter-appended) ---
"""Pipeline reference for scband-mo-elayer-16423954940130 (READ-ONLY COPY).

The authoritative reference and input builder live on the scoring server;
editing this copy changes nothing except your own understanding.
"""

import jax, jax.numpy as jnp
import numpy as np

DIM = 768
E = 8
K = 1
FF = 2
DFF = FF * DIM
B, N = 1, 2048


def setup_inputs(seed: int = 0) -> dict:
    key = jax.random.key(seed)
    ks = jax.random.split(key, 8)
    x = jax.random.normal(ks[0], (B, N, DIM), dtype=jnp.float32)
    router_w = jax.random.normal(ks[1], (E, DIM), dtype=jnp.float32) * (1.0 / np.sqrt(DIM))
    fc1_w = jax.random.normal(ks[2], (E, DFF, DIM), dtype=jnp.float32) * (1.0 / np.sqrt(DIM))
    fc1_b = jnp.zeros((E, DFF), dtype=jnp.float32)
    gate_w = jax.random.normal(ks[3], (E, DFF, DIM), dtype=jnp.float32) * (1.0 / np.sqrt(DIM))
    gate_b = jnp.zeros((E, DFF), dtype=jnp.float32)
    fc2_w = jax.random.normal(ks[4], (E, DIM, DFF), dtype=jnp.float32) * (1.0 / np.sqrt(DFF))
    fc2_b = jnp.zeros((E, DIM), dtype=jnp.float32)
    return {"x": x, "router_w": router_w, "fc1_w": fc1_w, "fc1_b": fc1_b,
            "gate_w": gate_w, "gate_b": gate_b, "fc2_w": fc2_w, "fc2_b": fc2_b}


def reference(x, router_w, fc1_w, fc1_b, gate_w, gate_b, fc2_w, fc2_b):
    Bq, Nq, C = x.shape
    x_flat = x.reshape(-1, C)
    T = x_flat.shape[0]
    # router (no bias)
    router_logits = x_flat @ router_w.T                      # [T, E]
    probs = jax.nn.softmax(router_logits, axis=-1)
    topv, topi = jax.lax.top_k(probs, K)                     # [T, K]
    topv = topv / (jnp.sum(topv, axis=-1, keepdims=True) + 1e-6)
    # expert compute + weighted combine (dropout p=0 -> identity).
    # Equivalent to torch per-expert dispatch + index_add_: tokens not routed
    # to expert e have combine weight 0.
    out = jnp.zeros((T, C), dtype=x_flat.dtype)
    for e in range(E):
        w_e = jnp.sum(topv * (topi == e).astype(topv.dtype), axis=-1)  # [T]
        h = x_flat @ fc1_w[e].T + fc1_b[e]
        g = x_flat @ gate_w[e].T + gate_b[e]
        o = (jax.nn.silu(g) * h) @ fc2_w[e].T + fc2_b[e]
        out = out + w_e[:, None] * o
    out_final = out.reshape(Bq, Nq, C)
    # load-balance aux loss (computed under no_grad in torch)
    flat_expert_idxs = topi.reshape(-1)
    counts = jnp.bincount(flat_expert_idxs, minlength=E, length=E).astype(jnp.float32)
    p = probs.sum(axis=0)
    total = counts.sum()
    frac = counts / (total + 1e-6)
    lb = jax.lax.stop_gradient(jnp.sum(frac * p) * max(1, E))
    return (out_final, lb)

if __name__ == "__main__":
    import jax
    _d = setup_inputs()
    print(jax.jit(kernel)(*tuple(_d.values())))

</pallas_src>

<mosaic_0001>
#map = affine_map<(d0, d1) -> (0, 0)>
#map1 = affine_map<(d0, d1) -> (0)>
module attributes {stable_mosaic.version = 14 : i64} {
  func.func @k(%arg0: i32, %arg1: i32, %arg2: memref<3072x768xf32, #tpu.memory_space<hbm>>, %arg3: memref<2048xi32, #tpu.memory_space<hbm>>, %arg4: memref<2048x768xf32, #tpu.memory_space<hbm>>, %arg5: memref<64xi32, #tpu.memory_space<vmem>>, %arg6: memref<64x768xf32, #tpu.memory_space<vmem>>, %arg7: memref<!tpu.dma_semaphore, #tpu.memory_space<semaphore_mem>>) attributes {dimension_semantics = [#tpu.dimension_semantics<core_parallel>, #tpu.dimension_semantics<subcore_parallel>], iteration_bounds = array<i64: 2, 16>, scalar_prefetch = 0 : i64, scratch_operands = 3 : i64, tpu.core_type = #tpu.core_type<sc_vector_subcore>, window_params = [{transform_indices = #map}, {transform_indices = #map1}, {transform_indices = #map}]} {
    %mul3A = arith.constant 2 : i32
    %mul3A_0 = arith.muli %arg1, %mul3A : i32
    %add3A = arith.addi %mul3A_0, %arg0 : i32
    %mul3A_1 = arith.constant 64 : i32
    %mul3A_2 = arith.muli %add3A, %mul3A_1 : i32
    "tpu.region"() ({
      %run_scoped3A = tpu.sem_alloc : memref<!tpu.dma_semaphore, #tpu.memory_space<semaphore_mem>>
      %dma_start3A_7 = tpu.memref_slice %arg3[%mul3A_2] : memref<2048xi32, #tpu.memory_space<hbm>> -> memref<64xi32, #tpu.memory_space<hbm>>
      %dma_start3A_8 = tpu.memref_slice %arg3[%mul3A_2] : memref<2048xi32, #tpu.memory_space<hbm>> -> memref<64xi32, #tpu.memory_space<hbm>>
      tpu.enqueue_dma source(%dma_start3A_8 : memref<64xi32, #tpu.memory_space<hbm>>) target(%arg5 : memref<64xi32, #tpu.memory_space<vmem>>) target_semaphore(%run_scoped3A : memref<!tpu.dma_semaphore, #tpu.memory_space<semaphore_mem>>)
      %dma_wait3A_9 = tpu.memref_slice %arg3[%mul3A_2] : memref<2048xi32, #tpu.memory_space<hbm>> -> memref<64xi32, #tpu.memory_space<hbm>>
      %dma_wait3A_10 = tpu.memref_slice %arg3[%mul3A_2] : memref<2048xi32, #tpu.memory_space<hbm>> -> memref<64xi32, #tpu.memory_space<hbm>>
      tpu.wait_dma2 semaphore(%run_scoped3A : memref<!tpu.dma_semaphore, #tpu.memory_space<semaphore_mem>>) src(%dma_wait3A_10 : memref<64xi32, #tpu.memory_space<hbm>>) dst(%arg5 : memref<64xi32, #tpu.memory_space<vmem>>)
      tpu.yield
    }) : () -> ()
    %dma_start3A = arith.constant 0 : i32
    %dma_start3A_3 = arith.constant 0 : i32
    %dma_start3A_4 = tpu.memref_slice %arg2[%dma_start3A, %dma_start3A_3] : memref<3072x768xf32, #tpu.memory_space<hbm>> -> memref<3072x768xf32, #tpu.memory_space<hbm>>
    tpu.enqueue_indirect_dma source(%dma_start3A_4 : memref<3072x768xf32, #tpu.memory_space<hbm>>) target(%arg6 : memref<64x768xf32, #tpu.memory_space<vmem>>) offsets(%arg5 : memref<64xi32, #tpu.memory_space<vmem>>) semaphore(%arg7 : memref<!tpu.dma_semaphore, #tpu.memory_space<semaphore_mem>>)
    %dma_wait3A = arith.constant 0 : i32
    %dma_wait3A_5 = arith.constant 0 : i32
    %dma_wait3A_6 = tpu.memref_slice %arg2[%dma_wait3A, %dma_wait3A_5] : memref<3072x768xf32, #tpu.memory_space<hbm>> -> memref<3072x768xf32, #tpu.memory_space<hbm>>
    tpu.wait_indirect_dma semaphore(%arg7 : memref<!tpu.dma_semaphore, #tpu.memory_space<semaphore_mem>>) src(%dma_wait3A_6 : memref<3072x768xf32, #tpu.memory_space<hbm>>) dst(%arg6 : memref<64x768xf32, #tpu.memory_space<vmem>>)
    "tpu.region"() ({
      %run_scoped3A = tpu.sem_alloc : memref<!tpu.dma_semaphore, #tpu.memory_space<semaphore_mem>>
      %dma_start3A_7 = arith.constant 0 : i32
      %dma_start3A_8 = tpu.memref_slice %arg4[%mul3A_2, %dma_start3A_7] : memref<2048x768xf32, #tpu.memory_space<hbm>> -> memref<64x768xf32, #tpu.memory_space<hbm>>
      %dma_start3A_9 = arith.constant 0 : i32
      %dma_start3A_10 = tpu.memref_slice %arg4[%mul3A_2, %dma_start3A_9] : memref<2048x768xf32, #tpu.memory_space<hbm>> -> memref<64x768xf32, #tpu.memory_space<hbm>>
      tpu.enqueue_dma source(%arg6 : memref<64x768xf32, #tpu.memory_space<vmem>>) target(%dma_start3A_10 : memref<64x768xf32, #tpu.memory_space<hbm>>) target_semaphore(%run_scoped3A : memref<!tpu.dma_semaphore, #tpu.memory_space<semaphore_mem>>)
      %dma_wait3A_11 = arith.constant 0 : i32
      %dma_wait3A_12 = tpu.memref_slice %arg4[%mul3A_2, %dma_wait3A_11] : memref<2048x768xf32, #tpu.memory_space<hbm>> -> memref<64x768xf32, #tpu.memory_space<hbm>>
      %dma_wait3A_13 = arith.constant 0 : i32
      %dma_wait3A_14 = tpu.memref_slice %arg4[%mul3A_2, %dma_wait3A_13] : memref<2048x768xf32, #tpu.memory_space<hbm>> -> memref<64x768xf32, #tpu.memory_space<hbm>>
      tpu.wait_dma2 semaphore(%run_scoped3A : memref<!tpu.dma_semaphore, #tpu.memory_space<semaphore_mem>>) src(%arg6 : memref<64x768xf32, #tpu.memory_space<vmem>>) dst(%dma_wait3A_14 : memref<64x768xf32, #tpu.memory_space<hbm>>)
      tpu.yield
    }) : () -> ()
    return
  }
}

#map = affine_map<(d0, d1) -> (0, 0)>
#map1 = affine_map<(d0, d1) -> (0)>
module attributes {stable_mosaic.version = 14 : i64} {
  func.func @k(%arg0: i32, %arg1: i32, %arg2: memref<2048x768xf32, #tpu.memory_space<hbm>>, %arg3: memref<2048xi32, #tpu.memory_space<hbm>>, %arg4: memref<2048x128xf32, #tpu.memory_space<hbm>>, %arg5: memref<3072x768xf32, #tpu.memory_space<hbm>>, %arg6: memref<3072x128xf32, #tpu.memory_space<hbm>>, %arg7: memref<64xi32, #tpu.memory_space<vmem>>, %arg8: memref<64x768xf32, #tpu.memory_space<vmem>>, %arg9: memref<64x128xf32, #tpu.memory_space<vmem>>, %arg10: memref<!tpu.dma_semaphore, #tpu.memory_space<semaphore_mem>>, %arg11: memref<!tpu.dma_semaphore, #tpu.memory_space<semaphore_mem>>) attributes {dimension_semantics = [#tpu.dimension_semantics<core_parallel>, #tpu.dimension_semantics<subcore_parallel>], iteration_bounds = array<i64: 2, 16>, scalar_prefetch = 0 : i64, scratch_operands = 5 : i64, tpu.core_type = #tpu.core_type<sc_vector_subcore>, window_params = [{transform_indices = #map}, {transform_indices = #map1}, {transform_indices = #map}, {transform_indices = #map}, {transform_indices = #map}]} {
    %mul3A = arith.constant 2 : i32
    %mul3A_0 = arith.muli %arg1, %mul3A : i32
    %add3A = arith.addi %mul3A_0, %arg0 : i32
    %mul3A_1 = arith.constant 64 : i32
    %mul3A_2 = arith.muli %add3A, %mul3A_1 : i32
    "tpu.region"() ({
      %run_scoped3A = tpu.sem_alloc : memref<!tpu.dma_semaphore, #tpu.memory_space<semaphore_mem>>
      %dma_start3A_13 = tpu.memref_slice %arg3[%mul3A_2] : memref<2048xi32, #tpu.memory_space<hbm>> -> memref<64xi32, #tpu.memory_space<hbm>>
      %dma_start3A_14 = tpu.memref_slice %arg3[%mul3A_2] : memref<2048xi32, #tpu.memory_space<hbm>> -> memref<64xi32, #tpu.memory_space<hbm>>
      tpu.enqueue_dma source(%dma_start3A_14 : memref<64xi32, #tpu.memory_space<hbm>>) target(%arg7 : memref<64xi32, #tpu.memory_space<vmem>>) target_semaphore(%run_scoped3A : memref<!tpu.dma_semaphore, #tpu.memory_space<semaphore_mem>>)
      %dma_wait3A_15 = tpu.memref_slice %arg3[%mul3A_2] : memref<2048xi32, #tpu.memory_space<hbm>> -> memref<64xi32, #tpu.memory_space<hbm>>
      %dma_wait3A_16 = tpu.memref_slice %arg3[%mul3A_2] : memref<2048xi32, #tpu.memory_space<hbm>> -> memref<64xi32, #tpu.memory_space<hbm>>
      tpu.wait_dma2 semaphore(%run_scoped3A : memref<!tpu.dma_semaphore, #tpu.memory_space<semaphore_mem>>) src(%dma_wait3A_16 : memref<64xi32, #tpu.memory_space<hbm>>) dst(%arg7 : memref<64xi32, #tpu.memory_space<vmem>>)
      tpu.yield
    }) : () -> ()
    "tpu.region"() ({
      %run_scoped3A = tpu.sem_alloc : memref<!tpu.dma_semaphore, #tpu.memory_space<semaphore_mem>>
      %dma_start3A_13 = arith.constant 0 : i32
      %dma_start3A_14 = tpu.memref_slice %arg2[%mul3A_2, %dma_start3A_13] : memref<2048x768xf32, #tpu.memory_space<hbm>> -> memref<64x768xf32, #tpu.memory_space<hbm>>
      %dma_start3A_15 = arith.constant 0 : i32
      %dma_start3A_16 = tpu.memref_slice %arg2[%mul3A_2, %dma_start3A_15] : memref<2048x768xf32, #tpu.memory_space<hbm>> -> memref<64x768xf32, #tpu.memory_space<hbm>>
      tpu.enqueue_dma source(%dma_start3A_16 : memref<64x768xf32, #tpu.memory_space<hbm>>) target(%arg8 : memref<64x768xf32, #tpu.memory_space<vmem>>) target_semaphore(%run_scoped3A : memref<!tpu.dma_semaphore, #tpu.memory_space<semaphore_mem>>)
      %dma_wait3A_17 = arith.constant 0 : i32
      %dma_wait3A_18 = tpu.memref_slice %arg2[%mul3A_2, %dma_wait3A_17] : memref<2048x768xf32, #tpu.memory_space<hbm>> -> memref<64x768xf32, #tpu.memory_space<hbm>>
      %dma_wait3A_19 = arith.constant 0 : i32
      %dma_wait3A_20 = tpu.memref_slice %arg2[%mul3A_2, %dma_wait3A_19] : memref<2048x768xf32, #tpu.memory_space<hbm>> -> memref<64x768xf32, #tpu.memory_space<hbm>>
      tpu.wait_dma2 semaphore(%run_scoped3A : memref<!tpu.dma_semaphore, #tpu.memory_space<semaphore_mem>>) src(%dma_wait3A_20 : memref<64x768xf32, #tpu.memory_space<hbm>>) dst(%arg8 : memref<64x768xf32, #tpu.memory_space<vmem>>)
      tpu.yield
    }) : () -> ()
    "tpu.region"() ({
      %run_scoped3A = tpu.sem_alloc : memref<!tpu.dma_semaphore, #tpu.memory_space<semaphore_mem>>
      %dma_start3A_13 = arith.constant 0 : i32
      %dma_start3A_14 = tpu.memref_slice %arg4[%mul3A_2, %dma_start3A_13] : memref<2048x128xf32, #tpu.memory_space<hbm>> -> memref<64x128xf32, #tpu.memory_space<hbm>>
      %dma_start3A_15 = arith.constant 0 : i32
      %dma_start3A_16 = tpu.memref_slice %arg4[%mul3A_2, %dma_start3A_15] : memref<2048x128xf32, #tpu.memory_space<hbm>> -> memref<64x128xf32, #tpu.memory_space<hbm>>
      tpu.enqueue_dma source(%dma_start3A_16 : memref<64x128xf32, #tpu.memory_space<hbm>>) target(%arg9 : memref<64x128xf32, #tpu.memory_space<vmem>>) target_semaphore(%run_scoped3A : memref<!tpu.dma_semaphore, #tpu.memory_space<semaphore_mem>>)
      %dma_wait3A_17 = arith.constant 0 : i32
      %dma_wait3A_18 = tpu.memref_slice %arg4[%mul3A_2, %dma_wait3A_17] : memref<2048x128xf32, #tpu.memory_space<hbm>> -> memref<64x128xf32, #tpu.memory_space<hbm>>
      %dma_wait3A_19 = arith.constant 0 : i32
      %dma_wait3A_20 = tpu.memref_slice %arg4[%mul3A_2, %dma_wait3A_19] : memref<2048x128xf32, #tpu.memory_space<hbm>> -> memref<64x128xf32, #tpu.memory_space<hbm>>
      tpu.wait_dma2 semaphore(%run_scoped3A : memref<!tpu.dma_semaphore, #tpu.memory_space<semaphore_mem>>) src(%dma_wait3A_20 : memref<64x128xf32, #tpu.memory_space<hbm>>) dst(%arg9 : memref<64x128xf32, #tpu.memory_space<vmem>>)
      tpu.yield
    }) : () -> ()
    %dma_start3A = arith.constant 0 : i32
    %dma_start3A_3 = arith.constant 0 : i32
    %dma_start3A_4 = tpu.memref_slice %arg5[%dma_start3A, %dma_start3A_3] : memref<3072x768xf32, #tpu.memory_space<hbm>> -> memref<3072x768xf32, #tpu.memory_space<hbm>>
    tpu.enqueue_indirect_dma source(%arg8 : memref<64x768xf32, #tpu.memory_space<vmem>>) target(%dma_start3A_4 : memref<3072x768xf32, #tpu.memory_space<hbm>>) offsets(%arg7 : memref<64xi32, #tpu.memory_space<vmem>>) semaphore(%arg10 : memref<!tpu.dma_semaphore, #tpu.memory_space<semaphore_mem>>)
    %dma_start3A_5 = arith.constant 0 : i32
    %dma_start3A_6 = arith.constant 0 : i32
    %dma_start3A_7 = tpu.memref_slice %arg6[%dma_start3A_5, %dma_start3A_6] : memref<3072x128xf32, #tpu.memory_space<hbm>> -> memref<3072x128xf32, #tpu.memory_space<hbm>>
    tpu.enqueue_indirect_dma source(%arg9 : memref<64x128xf32, #tpu.memory_space<vmem>>) target(%dma_start3A_7 : memref<3072x128xf32, #tpu.memory_space<hbm>>) offsets(%arg7 : memref<64xi32, #tpu.memory_space<vmem>>) semaphore(%arg11 : memref<!tpu.dma_semaphore, #tpu.memory_space<semaphore_mem>>)
    %dma_wait3A = arith.constant 0 : i32
    %dma_wait3A_8 = arith.constant 0 : i32
    %dma_wait3A_9 = tpu.memref_slice %arg5[%dma_wait3A, %dma_wait3A_8] : memref<3072x768xf32, #tpu.memory_space<hbm>> -> memref<3072x768xf32, #tpu.memory_space<hbm>>
    tpu.wait_indirect_dma semaphore(%arg10 : memref<!tpu.dma_semaphore, #tpu.memory_space<semaphore_mem>>) src(%arg8 : memref<64x768xf32, #tpu.memory_space<vmem>>) dst(%dma_wait3A_9 : memref<3072x768xf32, #tpu.memory_space<hbm>>)
    %dma_wait3A_10 = arith.constant 0 : i32
    %dma_wait3A_11 = arith.constant 0 : i32
    %dma_wait3A_12 = tpu.memref_slice %arg6[%dma_wait3A_10, %dma_wait3A_11] : memref<3072x128xf32, #tpu.memory_space<hbm>> -> memref<3072x128xf32, #tpu.memory_space<hbm>>
    tpu.wait_indirect_dma semaphore(%arg11 : memref<!tpu.dma_semaphore, #tpu.memory_space<semaphore_mem>>) src(%arg9 : memref<64x128xf32, #tpu.memory_space<vmem>>) dst(%dma_wait3A_12 : memref<3072x128xf32, #tpu.memory_space<hbm>>)
    return
  }
}

module attributes {stable_mosaic.version = 14 : i64} {
  func.func @_router_body(%arg0: memref<2048x768xf32, #tpu.memory_space<vmem>>, %arg1: memref<8x768xf32, #tpu.memory_space<vmem>>, %arg2: memref<2048x1xi32, #tpu.memory_space<vmem>>, %arg3: memref<2048x128xf32, #tpu.memory_space<vmem>>, %arg4: memref<24x1xi32, #tpu.memory_space<vmem>>, %arg5: memref<24x5xi32, #tpu.memory_space<vmem>>, %arg6: memref<1x1xf32, #tpu.memory_space<vmem>>) attributes {dimension_semantics = [], scalar_prefetch = 0 : i64, scratch_operands = 0 : i64, tpu.core_type = #tpu.core_type<tc>} {
    %get3A = arith.constant 0 : index
    %get3A_0 = arith.constant 0 : index
    %get3A_1 = vector.load %arg0[%get3A, %get3A_0] : memref<2048x768xf32, #tpu.memory_space<vmem>>, vector<2048x768xf32>
    %get3A_2 = arith.constant 0 : index
    %get3A_3 = arith.constant 0 : index
    %get3A_4 = vector.load %arg1[%get3A_2, %get3A_3] : memref<8x768xf32, #tpu.memory_space<vmem>>, vector<8x768xf32>
    %dot_general3A = arith.constant dense<0.000000e+00> : vector<2048x8xf32>
    %dot_general3A_5 = tpu.matmul %get3A_1, %get3A_4, %dot_general3A {dimension_numbers = #tpu.dot_dimension_numbers<[1], [1], [0], [0], [0, 0, 1, 0], [], []>, transpose_lhs_hint = false} : vector<2048x768xf32>, vector<8x768xf32>, vector<2048x8xf32> -> vector<2048x8xf32>
    %reduce_max3A = arith.constant dense<0xFF800000> : vector<2048xf32>
    %reduce_max3A_6 = vector.multi_reduction <maximumf>, %dot_general3A_5, %reduce_max3A [1] : vector<2048x8xf32> to vector<2048xf32>
    %broadcast_in_dim3A = vector.shape_cast %reduce_max3A_6 : vector<2048xf32> to vector<2048x1xf32>
    %sub3A = vector.broadcast %broadcast_in_dim3A : vector<2048x1xf32> to vector<2048x8xf32>
    %sub3A_7 = arith.subf %dot_general3A_5, %sub3A : vector<2048x8xf32>
    %exp3A = math.exp %sub3A_7 : vector<2048x8xf32>
    %reduce_sum3A = arith.constant dense<0.000000e+00> : vector<2048xf32>
    %reduce_sum3A_8 = vector.multi_reduction <add>, %exp3A, %reduce_sum3A [1] : vector<2048x8xf32> to vector<2048xf32>
    %broadcast_in_dim3A_9 = vector.shape_cast %reduce_sum3A_8 : vector<2048xf32> to vector<2048x1xf32>
    %div3A = vector.broadcast %broadcast_in_dim3A_9 : vector<2048x1xf32> to vector<2048x8xf32>
    %div3A_10 = arith.divf %exp3A, %div3A : vector<2048x8xf32>
    %reduce_max3A_11 = arith.constant dense<0xFF800000> : vector<2048xf32>
    %reduce_max3A_12 = vector.multi_reduction <maximumf>, %div3A_10, %reduce_max3A_11 [1] : vector<2048x8xf32> to vector<2048xf32>
    %broadcast_in_dim3A_13 = vector.shape_cast %reduce_max3A_12 : vector<2048xf32> to vector<2048x1xf32>
    %iota3A = tpu.iota {dimensions = array<i32: 1>} : vector<2048x8xi32>
    %eq3A = vector.broadcast %broadcast_in_dim3A_13 : vector<2048x1xf32> to vector<2048x8xf32>
    %eq3A_14 = arith.cmpf oeq, %div3A_10, %eq3A : vector<2048x8xf32>
    %jit3A = arith.constant 8 : i32
    %broadcast_in_dim3A_15 = vector.broadcast %jit3A : i32 to vector<2048x8xi32>
    %select_n3A = arith.select %eq3A_14, %iota3A, %broadcast_in_dim3A_15 : vector<2048x8xi1>, vector<2048x8xi32>
    %reduce_min3A = arith.constant dense<2147483647> : vector<2048xi32>
    %reduce_min3A_16 = vector.multi_reduction <minsi>, %select_n3A, %reduce_min3A [1] : vector<2048x8xi32> to vector<2048xi32>
    %broadcast_in_dim3A_17 = vector.shape_cast %reduce_min3A_16 : vector<2048xi32> to vector<2048x1xi32>
    %add3A = arith.constant 9.99999997E-7 : f32
    %add3A_18 = vector.broadcast %add3A : f32 to vector<2048x1xf32>
    %add3A_19 = arith.addf %broadcast_in_dim3A_13, %add3A_18 : vector<2048x1xf32>
    %div3A_20 = arith.divf %broadcast_in_dim3A_13, %add3A_19 : vector<2048x1xf32>
    %broadcast_in_dim3A_21 = vector.shape_cast %div3A_20 : vector<2048x1xf32> to vector<2048x1xf32>
    %broadcast_in_dim3A_22 = vector.broadcast %broadcast_in_dim3A_21 : vector<2048x1xf32> to vector<2048x128xf32>
    %swap3A = arith.constant 0 : index
    %swap3A_23 = arith.constant 0 : index
    %swap3A_24 = vector.load %arg3[%swap3A, %swap3A_23] : memref<2048x128xf32, #tpu.memory_space<vmem>>, vector<2048x128xf32>
    tpu.vector_store %arg3[%swap3A, %swap3A_23], %broadcast_in_dim3A_22 {strides = array<i32>} : memref<2048x128xf32, #tpu.memory_space<vmem>>, vector<2048x128xf32>,
    %eq3A_25 = vector.broadcast %broadcast_in_dim3A_17 : vector<2048x1xi32> to vector<2048x8xi32>
    %eq3A_26 = arith.cmpi eq, %iota3A, %eq3A_25 : vector<2048x8xi32>
    %convert_element_type3A = arith.extui %eq3A_26 : vector<2048x8xi1> to vector<2048x8xi32>
    %iota3A_27 = tpu.iota {dimensions = array<i32: 0>} : vector<2048x8xi32>
    %roll3A = arith.constant 1 : i32
    %roll3A_28 = tpu.dynamic_rotate %convert_element_type3A by %roll3A dim 0 : vector<2048x8xi32>, i32 -> vector<2048x8xi32>
    %ge3A = arith.constant 1 : i32
    %ge3A_29 = vector.broadcast %ge3A : i32 to vector<2048x8xi32>
    %ge3A_30 = arith.cmpi sge, %iota3A_27, %ge3A_29 : vector<2048x8xi32>
    %jit3A_31 = arith.constant 0 : i32
    %broadcast_in_dim3A_32 = vector.broadcast %jit3A_31 : i32 to vector<2048x8xi32>
    %select_n3A_33 = arith.select %ge3A_30, %roll3A_28, %broadcast_in_dim3A_32 : vector<2048x8xi1>, vector<2048x8xi32>
    %add3A_34 = arith.addi %convert_element_type3A, %select_n3A_33 : vector<2048x8xi32>
    %roll3A_35 = arith.constant 2 : i32
    %roll3A_36 = tpu.dynamic_rotate %add3A_34 by %roll3A_35 dim 0 : vector<2048x8xi32>, i32 -> vector<2048x8xi32>
    %ge3A_37 = arith.constant 2 : i32
    %ge3A_38 = vector.broadcast %ge3A_37 : i32 to vector<2048x8xi32>
    %ge3A_39 = arith.cmpi sge, %iota3A_27, %ge3A_38 : vector<2048x8xi32>
    %jit3A_40 = arith.constant 0 : i32
    %broadcast_in_dim3A_41 = vector.broadcast %jit3A_40 : i32 to vector<2048x8xi32>
    %select_n3A_42 = arith.select %ge3A_39, %roll3A_36, %broadcast_in_dim3A_41 : vector<2048x8xi1>, vector<2048x8xi32>
    %add3A_43 = arith.addi %add3A_34, %select_n3A_42 : vector<2048x8xi32>
    %roll3A_44 = arith.constant 4 : i32
    %roll3A_45 = tpu.dynamic_rotate %add3A_43 by %roll3A_44 dim 0 : vector<2048x8xi32>, i32 -> vector<2048x8xi32>
    %ge3A_46 = arith.constant 4 : i32
    %ge3A_47 = vector.broadcast %ge3A_46 : i32 to vector<2048x8xi32>
    %ge3A_48 = arith.cmpi sge, %iota3A_27, %ge3A_47 : vector<2048x8xi32>
    %jit3A_49 = arith.constant 0 : i32
    %broadcast_in_dim3A_50 = vector.broadcast %jit3A_49 : i32 to vector<2048x8xi32>
    %select_n3A_51 = arith.select %ge3A_48, %roll3A_45, %broadcast_in_dim3A_50 : vector<2048x8xi1>, vector<2048x8xi32>
    %add3A_52 = arith.addi %add3A_43, %select_n3A_51 : vector<2048x8xi32>
    %roll3A_53 = arith.constant 8 : i32
    %roll3A_54 = tpu.dynamic_rotate %add3A_52 by %roll3A_53 dim 0 : vector<2048x8xi32>, i32 -> vector<2048x8xi32>
    %ge3A_55 = arith.constant 8 : i32
    %ge3A_56 = vector.broadcast %ge3A_55 : i32 to vector<2048x8xi32>
    %ge3A_57 = arith.cmpi sge, %iota3A_27, %ge3A_56 : vector<2048x8xi32>
    %jit3A_58 = arith.constant 0 : i32
    %broadcast_in_dim3A_59 = vector.broadcast %jit3A_58 : i32 to vector<2048x8xi32>
    %select_n3A_60 = arith.select %ge3A_57, %roll3A_54, %broadcast_in_dim3A_59 : vector<2048x8xi1>, vector<2048x8xi32>
    %add3A_61 = arith.addi %add3A_52, %select_n3A_60 : vector<2048x8xi32>
    %roll3A_62 = arith.constant 16 : i32
    %roll3A_63 = tpu.dynamic_rotate %add3A_61 by %roll3A_62 dim 0 : vector<2048x8xi32>, i32 -> vector<2048x8xi32>
    %ge3A_64 = arith.constant 16 : i32
    %ge3A_65 = vector.broadcast %ge3A_64 : i32 to vector<2048x8xi32>
    %ge3A_66 = arith.cmpi sge, %iota3A_27, %ge3A_65 : vector<2048x8xi32>
    %jit3A_67 = arith.constant 0 : i32
    %broadcast_in_dim3A_68 = vector.broadcast %jit3A_67 : i32 to vector<2048x8xi32>
    %select_n3A_69 = arith.select %ge3A_66, %roll3A_63, %broadcast_in_dim3A_68 : vector<2048x8xi1>, vector<2048x8xi32>
    %add3A_70 = arith.addi %add3A_61, %select_n3A_69 : vector<2048x8xi32>
    %roll3A_71 = arith.constant 32 : i32
    %roll3A_72 = tpu.dynamic_rotate %add3A_70 by %roll3A_71 dim 0 : vector<2048x8xi32>, i32 -> vector<2048x8xi32>
    %ge3A_73 = arith.constant 32 : i32
    %ge3A_74 = vector.broadcast %ge3A_73 : i32 to vector<2048x8xi32>
    %ge3A_75 = arith.cmpi sge, %iota3A_27, %ge3A_74 : vector<2048x8xi32>
    %jit3A_76 = arith.constant 0 : i32
    %broadcast_in_dim3A_77 = vector.broadcast %jit3A_76 : i32 to vector<2048x8xi32>
    %select_n3A_78 = arith.select %ge3A_75, %roll3A_72, %broadcast_in_dim3A_77 : vector<2048x8xi1>, vector<2048x8xi32>
    %add3A_79 = arith.addi %add3A_70, %select_n3A_78 : vector<2048x8xi32>
    %roll3A_80 = arith.constant 64 : i32
    %roll3A_81 = tpu.dynamic_rotate %add3A_79 by %roll3A_80 dim 0 : vector<2048x8xi32>, i32 -> vector<2048x8xi32>
    %ge3A_82 = arith.constant 64 : i32
    %ge3A_83 = vector.broadcast %ge3A_82 : i32 to vector<2048x8xi32>
    %ge3A_84 = arith.cmpi sge, %iota3A_27, %ge3A_83 : vector<2048x8xi32>
    %jit3A_85 = arith.constant 0 : i32
    %broadcast_in_dim3A_86 = vector.broadcast %jit3A_85 : i32 to vector<2048x8xi32>
    %select_n3A_87 = arith.select %ge3A_84, %roll3A_81, %broadcast_in_dim3A_86 : vector<2048x8xi1>, vector<2048x8xi32>
    %add3A_88 = arith.addi %add3A_79, %select_n3A_87 : vector<2048x8xi32>
    %roll3A_89 = arith.constant 128 : i32
    %roll3A_90 = tpu.dynamic_rotate %add3A_88 by %roll3A_89 dim 0 : vector<2048x8xi32>, i32 -> vector<2048x8xi32>
    %ge3A_91 = arith.constant 128 : i32
    %ge3A_92 = vector.broadcast %ge3A_91 : i32 to vector<2048x8xi32>
    %ge3A_93 = arith.cmpi sge, %iota3A_27, %ge3A_92 : vector<2048x8xi32>
    %jit3A_94 = arith.constant 0 : i32
    %broadcast_in_dim3A_95 = vector.broadcast %jit3A_94 : i32 to vector<2048x8xi32>
    %select_n3A_96 = arith.select %ge3A_93, %roll3A_90, %broadcast_in_dim3A_95 : vector<2048x8xi1>, vector<2048x8xi32>
    %add3A_97 = arith.addi %add3A_88, %select_n3A_96 : vector<2048x8xi32>
    %roll3A_98 = arith.constant 256 : i32
    %roll3A_99 = tpu.dynamic_rotate %add3A_97 by %roll3A_98 dim 0 : vector<2048x8xi32>, i32 -> vector<2048x8xi32>
    %ge3A_100 = arith.constant 256 : i32
    %ge3A_101 = vector.broadcast %ge3A_100 : i32 to vector<2048x8xi32>
    %ge3A_102 = arith.cmpi sge, %iota3A_27, %ge3A_101 : vector<2048x8xi32>
    %jit3A_103 = arith.constant 0 : i32
    %broadcast_in_dim3A_104 = vector.broadcast %jit3A_103 : i32 to vector<2048x8xi32>
    %select_n3A_105 = arith.select %ge3A_102, %roll3A_99, %broadcast_in_dim3A_104 : vector<2048x8xi1>, vector<2048x8xi32>
    %add3A_106 = arith.addi %add3A_97, %select_n3A_105 : vector<2048x8xi32>
    %roll3A_107 = arith.constant 512 : i32
    %roll3A_108 = tpu.dynamic_rotate %add3A_106 by %roll3A_107 dim 0 : vector<2048x8xi32>, i32 -> vector<2048x8xi32>
    %ge3A_109 = arith.constant 512 : i32
    %ge3A_110 = vector.broadcast %ge3A_109 : i32 to vector<2048x8xi32>
    %ge3A_111 = arith.cmpi sge, %iota3A_27, %ge3A_110 : vector<2048x8xi32>
    %jit3A_112 = arith.constant 0 : i32
    %broadcast_in_dim3A_113 = vector.broadcast %jit3A_112 : i32 to vector<2048x8xi32>
    %select_n3A_114 = arith.select %ge3A_111, %roll3A_108, %broadcast_in_dim3A_113 : vector<2048x8xi1>, vector<2048x8xi32>
    %add3A_115 = arith.addi %add3A_106, %select_n3A_114 : vector<2048x8xi32>
    %roll3A_116 = arith.constant 1024 : i32
    %roll3A_117 = tpu.dynamic_rotate %add3A_115 by %roll3A_116 dim 0 : vector<2048x8xi32>, i32 -> vector<2048x8xi32>
    %ge3A_118 = arith.constant 1024 : i32
    %ge3A_119 = vector.broadcast %ge3A_118 : i32 to vector<2048x8xi32>
    %ge3A_120 = arith.cmpi sge, %iota3A_27, %ge3A_119 : vector<2048x8xi32>
    %jit3A_121 = arith.constant 0 : i32
    %broadcast_in_dim3A_122 = vector.broadcast %jit3A_121 : i32 to vector<2048x8xi32>
    %select_n3A_123 = arith.select %ge3A_120, %roll3A_117, %broadcast_in_dim3A_122 : vector<2048x8xi1>, vector<2048x8xi32>
    %add3A_124 = arith.addi %add3A_115, %select_n3A_123 : vector<2048x8xi32>
    %sub3A_125 = arith.subi %add3A_124, %convert_element_type3A : vector<2048x8xi32>
    %mul3A = arith.muli %sub3A_125, %convert_element_type3A : vector<2048x8xi32>
    %reduce_sum3A_126 = arith.constant dense<0> : vector<2048xi32>
    %reduce_sum3A_127 = vector.multi_reduction <add>, %mul3A, %reduce_sum3A_126 [1] : vector<2048x8xi32> to vector<2048xi32>
    %broadcast_in_dim3A_128 = vector.shape_cast %reduce_sum3A_127 : vector<2048xi32> to vector<2048x1xi32>
    %reduce_sum3A_129 = arith.constant dense<0> : vector<8xi32>
    %reduce_sum3A_130 = vector.multi_reduction <add>, %convert_element_type3A, %reduce_sum3A_129 [0] : vector<2048x8xi32> to vector<8xi32>
    %broadcast_in_dim3A_131 = vector.shape_cast %reduce_sum3A_130 : vector<8xi32> to vector<1x8xi32>
    %add3A_132 = arith.constant 127 : i32
    %add3A_133 = vector.broadcast %add3A_132 : i32 to vector<1x8xi32>
    %add3A_134 = arith.addi %broadcast_in_dim3A_131, %add3A_133 : vector<1x8xi32>
    %jit3A_135 = arith.constant 128 : i32
    %div3A_136 = vector.broadcast %jit3A_135 : i32 to vector<1x8xi32>
    %div3A_137 = arith.divsi %add3A_134, %div3A_136 : vector<1x8xi32>
    %sign3A = arith.constant 0 : i32
    %sign3A_138 = vector.broadcast %sign3A : i32 to vector<1x8xi32>
    %sign3A_139 = arith.cmpi sgt, %add3A_134, %sign3A_138 : vector<1x8xi32>
    %sign3A_140 = arith.extui %sign3A_139 : vector<1x8xi1> to vector<1x8xi32>
    %sign3A_141 = arith.constant 0 : i32
    %sign3A_142 = vector.broadcast %sign3A_141 : i32 to vector<1x8xi32>
    %sign3A_143 = arith.cmpi slt, %add3A_134, %sign3A_142 : vector<1x8xi32>
    %sign3A_144 = arith.extui %sign3A_143 : vector<1x8xi1> to vector<1x8xi32>
    %sign3A_145 = arith.subi %sign3A_140, %sign3A_144 : vector<1x8xi32>
    %sign3A_146 = arith.constant 0 : i32
    %sign3A_147 = arith.cmpi sgt, %jit3A_135, %sign3A_146 : i32
    %sign3A_148 = arith.extui %sign3A_147 : i1 to i32
    %sign3A_149 = arith.constant 0 : i32
    %sign3A_150 = arith.cmpi slt, %jit3A_135, %sign3A_149 : i32
    %sign3A_151 = arith.extui %sign3A_150 : i1 to i32
    %sign3A_152 = arith.subi %sign3A_148, %sign3A_151 : i32
    %ne3A = vector.broadcast %sign3A_152 : i32 to vector<1x8xi32>
    %ne3A_153 = arith.cmpi ne, %sign3A_145, %ne3A : vector<1x8xi32>
    %rem3A = vector.broadcast %jit3A_135 : i32 to vector<1x8xi32>
    %rem3A_154 = arith.remsi %add3A_134, %rem3A : vector<1x8xi32>
    %ne3A_155 = arith.constant 0 : i32
    %ne3A_156 = vector.broadcast %ne3A_155 : i32 to vector<1x8xi32>
    %ne3A_157 = arith.cmpi ne, %rem3A_154, %ne3A_156 : vector<1x8xi32>
    %and3A = arith.andi %ne3A_153, %ne3A_157 : vector<1x8xi1>
    %sub3A_158 = arith.constant 1 : i32
    %sub3A_159 = vector.broadcast %sub3A_158 : i32 to vector<1x8xi32>
    %sub3A_160 = arith.subi %div3A_137, %sub3A_159 : vector<1x8xi32>
    %select_n3A_161 = arith.select %and3A, %sub3A_160, %div3A_137 : vector<1x8xi1>, vector<1x8xi32>
    %mul3A_162 = arith.constant 128 : i32
    %mul3A_163 = vector.broadcast %mul3A_162 : i32 to vector<1x8xi32>
    %mul3A_164 = arith.muli %select_n3A_161, %mul3A_163 : vector<1x8xi32>
    %iota3A_165 = tpu.iota {dimensions = array<i32: 1>} : vector<1x8xi32>
    %roll3A_166 = arith.constant 1 : i32
    %roll3A_167 = tpu.dynamic_rotate %mul3A_164 by %roll3A_166 dim 1 : vector<1x8xi32>, i32 -> vector<1x8xi32>
    %ge3A_168 = arith.constant 1 : i32
    %ge3A_169 = vector.broadcast %ge3A_168 : i32 to vector<1x8xi32>
    %ge3A_170 = arith.cmpi sge, %iota3A_165, %ge3A_169 : vector<1x8xi32>
    %jit3A_171 = arith.constant 0 : i32
    %broadcast_in_dim3A_172 = vector.broadcast %jit3A_171 : i32 to vector<1x8xi32>
    %select_n3A_173 = arith.select %ge3A_170, %roll3A_167, %broadcast_in_dim3A_172 : vector<1x8xi1>, vector<1x8xi32>
    %add3A_174 = arith.addi %mul3A_164, %select_n3A_173 : vector<1x8xi32>
    %roll3A_175 = arith.constant 2 : i32
    %roll3A_176 = tpu.dynamic_rotate %add3A_174 by %roll3A_175 dim 1 : vector<1x8xi32>, i32 -> vector<1x8xi32>
    %ge3A_177 = arith.constant 2 : i32
    %ge3A_178 = vector.broadcast %ge3A_177 : i32 to vector<1x8xi32>
    %ge3A_179 = arith.cmpi sge, %iota3A_165, %ge3A_178 : vector<1x8xi32>
    %jit3A_180 = arith.constant 0 : i32
    %broadcast_in_dim3A_181 = vector.broadcast %jit3A_180 : i32 to vector<1x8xi32>
    %select_n3A_182 = arith.select %ge3A_179, %roll3A_176, %broadcast_in_dim3A_181 : vector<1x8xi1>, vector<1x8xi32>
    %add3A_183 = arith.addi %add3A_174, %select_n3A_182 : vector<1x8xi32>
    %roll3A_184 = arith.constant 4 : i32
    %roll3A_185 = tpu.dynamic_rotate %add3A_183 by %roll3A_184 dim 1 : vector<1x8xi32>, i32 -> vector<1x8xi32>
    %ge3A_186 = arith.constant 4 : i32
    %ge3A_187 = vector.broadcast %ge3A_186 : i32 to vector<1x8xi32>
    %ge3A_188 = arith.cmpi sge, %iota3A_165, %ge3A_187 : vector<1x8xi32>
    %jit3A_189 = arith.constant 0 : i32
    %broadcast_in_dim3A_190 = vector.broadcast %jit3A_189 : i32 to vector<1x8xi32>
    %select_n3A_191 = arith.select %ge3A_188, %roll3A_185, %broadcast_in_dim3A_190 : vector<1x8xi1>, vector<1x8xi32>
    %add3A_192 = arith.addi %add3A_183, %select_n3A_191 : vector<1x8xi32>
    %sub3A_193 = arith.subi %add3A_192, %mul3A_164 : vector<1x8xi32>
    %mul3A_194 = vector.broadcast %sub3A_193 : vector<1x8xi32> to vector<2048x8xi32>
    %mul3A_195 = arith.muli %mul3A_194, %convert_element_type3A : vector<2048x8xi32>
    %reduce_sum3A_196 = arith.constant dense<0> : vector<2048xi32>
    %reduce_sum3A_197 = vector.multi_reduction <add>, %mul3A_195, %reduce_sum3A_196 [1] : vector<2048x8xi32> to vector<2048xi32>
    %broadcast_in_dim3A_198 = vector.shape_cast %reduce_sum3A_197 : vector<2048xi32> to vector<2048x1xi32>
    %add3A_199 = arith.addi %broadcast_in_dim3A_198, %broadcast_in_dim3A_128 : vector<2048x1xi32>
    %swap3A_200 = arith.constant 0 : index
    %swap3A_201 = arith.constant 0 : index
    %swap3A_202 = vector.load %arg2[%swap3A_200, %swap3A_201] : memref<2048x1xi32, #tpu.memory_space<vmem>>, vector<2048x1xi32>
    tpu.vector_store %arg2[%swap3A_200, %swap3A_201], %add3A_199 {strides = array<i32>} : memref<2048x1xi32, #tpu.memory_space<vmem>>, vector<2048x1xi32>,
    %iota3A_203 = tpu.iota {dimensions = array<i32: 0>} : vector<24x8xi32>
    %mul3A_204 = arith.constant 128 : i32
    %mul3A_205 = vector.broadcast %mul3A_204 : i32 to vector<24x8xi32>
    %mul3A_206 = arith.muli %iota3A_203, %mul3A_205 : vector<24x8xi32>
    %broadcast_in_dim3A_207 = vector.shape_cast %add3A_192 : vector<1x8xi32> to vector<1x8xi32>
    %broadcast_in_dim3A_208 = vector.broadcast %broadcast_in_dim3A_207 : vector<1x8xi32> to vector<24x8xi32>
    %ge3A_209 = arith.cmpi sge, %mul3A_206, %broadcast_in_dim3A_208 : vector<24x8xi32>
    %convert_element_type3A_210 = arith.extui %ge3A_209 : vector<24x8xi1> to vector<24x8xi32>
    %reduce_sum3A_211 = arith.constant dense<0> : vector<24xi32>
    %reduce_sum3A_212 = vector.multi_reduction <add>, %convert_element_type3A_210, %reduce_sum3A_211 [1] : vector<24x8xi32> to vector<24xi32>
    %broadcast_in_dim3A_213 = vector.shape_cast %reduce_sum3A_212 : vector<24xi32> to vector<24x1xi32>
    %min3A = arith.constant 7 : i32
    %min3A_214 = vector.broadcast %min3A : i32 to vector<24x1xi32>
    %min3A_215 = arith.minsi %broadcast_in_dim3A_213, %min3A_214 : vector<24x1xi32>
    %swap3A_216 = arith.constant 0 : index
    %swap3A_217 = arith.constant 0 : index
    %swap3A_218 = vector.load %arg4[%swap3A_216, %swap3A_217] : memref<24x1xi32, #tpu.memory_space<vmem>>, vector<24x1xi32>
    tpu.vector_store %arg4[%swap3A_216, %swap3A_217], %min3A_215 {strides = array<i32>} : memref<24x1xi32, #tpu.memory_space<vmem>>, vector<24x1xi32>,
    %iota3A_219 = tpu.iota {dimensions = array<i32: 0>} : vector<24x1xi32>
    %roll3A_220 = arith.constant 1 : i32
    %roll3A_221 = tpu.dynamic_rotate %min3A_215 by %roll3A_220 dim 0 : vector<24x1xi32>, i32 -> vector<24x1xi32>
    %ne3A_222 = arith.cmpi ne, %min3A_215, %roll3A_221 : vector<24x1xi32>
    %eq3A_223 = arith.constant 0 : i32
    %eq3A_224 = vector.broadcast %eq3A_223 : i32 to vector<24x1xi32>
    %eq3A_225 = arith.cmpi eq, %iota3A_219, %eq3A_224 : vector<24x1xi32>
    %or3A = arith.ori %ne3A_222, %eq3A_225 : vector<24x1xi1>
    %convert_element_type3A_226 = arith.extui %or3A : vector<24x1xi1> to vector<24x1xi32>
    %iota3A_227 = tpu.iota {dimensions = array<i32: 0>} : vector<24x1xi32>
    %roll3A_228 = arith.constant 1 : i32
    %roll3A_229 = tpu.dynamic_rotate %convert_element_type3A_226 by %roll3A_228 dim 0 : vector<24x1xi32>, i32 -> vector<24x1xi32>
    %ge3A_230 = arith.constant 1 : i32
    %ge3A_231 = vector.broadcast %ge3A_230 : i32 to vector<24x1xi32>
    %ge3A_232 = arith.cmpi sge, %iota3A_227, %ge3A_231 : vector<24x1xi32>
    %jit3A_233 = arith.constant 0 : i32
    %broadcast_in_dim3A_234 = vector.broadcast %jit3A_233 : i32 to vector<24x1xi32>
    %select_n3A_235 = arith.select %ge3A_232, %roll3A_229, %broadcast_in_dim3A_234 : vector<24x1xi1>, vector<24x1xi32>
    %add3A_236 = arith.addi %convert_element_type3A_226, %select_n3A_235 : vector<24x1xi32>
    %roll3A_237 = arith.constant 2 : i32
    %roll3A_238 = tpu.dynamic_rotate %add3A_236 by %roll3A_237 dim 0 : vector<24x1xi32>, i32 -> vector<24x1xi32>
    %ge3A_239 = arith.constant 2 : i32
    %ge3A_240 = vector.broadcast %ge3A_239 : i32 to vector<24x1xi32>
    %ge3A_241 = arith.cmpi sge, %iota3A_227, %ge3A_240 : vector<24x1xi32>
    %jit3A_242 = arith.constant 0 : i32
    %broadcast_in_dim3A_243 = vector.broadcast %jit3A_242 : i32 to vector<24x1xi32>
    %select_n3A_244 = arith.select %ge3A_241, %roll3A_238, %broadcast_in_dim3A_243 : vector<24x1xi1>, vector<24x1xi32>
    %add3A_245 = arith.addi %add3A_236, %select_n3A_244 : vector<24x1xi32>
    %roll3A_246 = arith.constant 4 : i32
    %roll3A_247 = tpu.dynamic_rotate %add3A_245 by %roll3A_246 dim 0 : vector<24x1xi32>, i32 -> vector<24x1xi32>
    %ge3A_248 = arith.constant 4 : i32
    %ge3A_249 = vector.broadcast %ge3A_248 : i32 to vector<24x1xi32>
    %ge3A_250 = arith.cmpi sge, %iota3A_227, %ge3A_249 : vector<24x1xi32>
    %jit3A_251 = arith.constant 0 : i32
    %broadcast_in_dim3A_252 = vector.broadcast %jit3A_251 : i32 to vector<24x1xi32>
    %select_n3A_253 = arith.select %ge3A_250, %roll3A_247, %broadcast_in_dim3A_252 : vector<24x1xi1>, vector<24x1xi32>
    %add3A_254 = arith.addi %add3A_245, %select_n3A_253 : vector<24x1xi32>
    %roll3A_255 = arith.constant 8 : i32
    %roll3A_256 = tpu.dynamic_rotate %add3A_254 by %roll3A_255 dim 0 : vector<24x1xi32>, i32 -> vector<24x1xi32>
    %ge3A_257 = arith.constant 8 : i32
    %ge3A_258 = vector.broadcast %ge3A_257 : i32 to vector<24x1xi32>
    %ge3A_259 = arith.cmpi sge, %iota3A_227, %ge3A_258 : vector<24x1xi32>
    %jit3A_260 = arith.constant 0 : i32
    %broadcast_in_dim3A_261 = vector.broadcast %jit3A_260 : i32 to vector<24x1xi32>
    %select_n3A_262 = arith.select %ge3A_259, %roll3A_256, %broadcast_in_dim3A_261 : vector<24x1xi1>, vector<24x1xi32>
    %add3A_263 = arith.addi %add3A_254, %select_n3A_262 : vector<24x1xi32>
    %roll3A_264 = arith.constant 16 : i32
    %roll3A_265 = tpu.dynamic_rotate %add3A_263 by %roll3A_264 dim 0 : vector<24x1xi32>, i32 -> vector<24x1xi32>
    %ge3A_266 = arith.constant 16 : i32
    %ge3A_267 = vector.broadcast %ge3A_266 : i32 to vector<24x1xi32>
    %ge3A_268 = arith.cmpi sge, %iota3A_227, %ge3A_267 : vector<24x1xi32>
    %jit3A_269 = arith.constant 0 : i32
    %broadcast_in_dim3A_270 = vector.broadcast %jit3A_269 : i32 to vector<24x1xi32>
    %select_n3A_271 = arith.select %ge3A_268, %roll3A_265, %broadcast_in_dim3A_270 : vector<24x1xi1>, vector<24x1xi32>
    %add3A_272 = arith.addi %add3A_263, %select_n3A_271 : vector<24x1xi32>
    %sub3A_273 = arith.constant 1 : i32
    %sub3A_274 = vector.broadcast %sub3A_273 : i32 to vector<24x1xi32>
    %sub3A_275 = arith.subi %add3A_272, %sub3A_274 : vector<24x1xi32>
    %rem3A_276 = arith.constant 2 : i32
    %rem3A_277 = vector.broadcast %rem3A_276 : i32 to vector<24x1xi32>
    %rem3A_278 = arith.remsi %sub3A_275, %rem3A_277 : vector<24x1xi32>
    %iota3A_279 = tpu.iota {dimensions = array<i32: 1>} : vector<1x8xi32>
    %gt3A = arith.constant 0 : i32
    %gt3A_280 = vector.broadcast %gt3A : i32 to vector<1x8xi32>
    %gt3A_281 = arith.cmpi sgt, %mul3A_164, %gt3A_280 : vector<1x8xi32>
    %gt3A_282 = vector.broadcast %iota3A_279 : vector<1x8xi32> to vector<24x8xi32>
    %gt3A_283 = vector.broadcast %min3A_215 : vector<24x1xi32> to vector<24x8xi32>
    %gt3A_284 = arith.cmpi sgt, %gt3A_282, %gt3A_283 : vector<24x8xi32>
    %and3A_285 = vector.broadcast %gt3A_281 : vector<1x8xi1> to vector<24x8xi1>
    %and3A_286 = arith.andi %and3A_285, %gt3A_284 : vector<24x8xi1>
    %jit3A_287 = arith.constant 99 : i32
    %broadcast_in_dim3A_288 = vector.shape_cast %iota3A_279 : vector<1x8xi32> to vector<1x8xi32>
    %broadcast_in_dim3A_289 = vector.broadcast %broadcast_in_dim3A_288 : vector<1x8xi32> to vector<24x8xi32>
    %broadcast_in_dim3A_290 = vector.broadcast %jit3A_287 : i32 to vector<24x8xi32>
    %select_n3A_291 = arith.select %and3A_286, %broadcast_in_dim3A_289, %broadcast_in_dim3A_290 : vector<24x8xi1>, vector<24x8xi32>
    %reduce_min3A_292 = arith.constant dense<2147483647> : vector<24xi32>
    %reduce_min3A_293 = vector.multi_reduction <minsi>, %select_n3A_291, %reduce_min3A_292 [1] : vector<24x8xi32> to vector<24xi32>
    %broadcast_in_dim3A_294 = vector.shape_cast %reduce_min3A_293 : vector<24xi32> to vector<24x1xi32>
    %eq3A_295 = arith.constant 1 : i32
    %eq3A_296 = vector.broadcast %eq3A_295 : i32 to vector<24x1xi32>
    %eq3A_297 = arith.cmpi eq, %convert_element_type3A_226, %eq3A_296 : vector<24x1xi32>
    %lt3A = arith.constant 99 : i32
    %lt3A_298 = vector.broadcast %lt3A : i32 to vector<24x1xi32>
    %lt3A_299 = arith.cmpi slt, %broadcast_in_dim3A_294, %lt3A_298 : vector<24x1xi32>
    %and3A_300 = arith.andi %eq3A_297, %lt3A_299 : vector<24x1xi1>
    %convert_element_type3A_301 = arith.extui %and3A_300 : vector<24x1xi1> to vector<24x1xi32>
    %mul3A_302 = arith.constant 128 : i32
    %mul3A_303 = vector.broadcast %mul3A_302 : i32 to vector<24x1xi32>
    %mul3A_304 = arith.muli %iota3A_219, %mul3A_303 : vector<24x1xi32>
    %slice3A = vector.extract_strided_slice %add3A_192 {offsets = [0, 7], sizes = [1, 1], strides = [1, 1]} : vector<1x8xi32> to vector<1x1xi32>
    %lt3A_305 = vector.broadcast %slice3A : vector<1x1xi32> to vector<24x1xi32>
    %lt3A_306 = arith.cmpi slt, %mul3A_304, %lt3A_305 : vector<24x1xi32>
    %convert_element_type3A_307 = arith.extui %lt3A_306 : vector<24x1xi1> to vector<24x1xi32>
    %min3A_308 = arith.constant 7 : i32
    %min3A_309 = vector.broadcast %min3A_308 : i32 to vector<24x1xi32>
    %min3A_310 = arith.minsi %broadcast_in_dim3A_294, %min3A_309 : vector<24x1xi32>
    %concatenate3A = tpu.concatenate %convert_element_type3A_226, %rem3A_278, %min3A_310, %convert_element_type3A_301, %convert_element_type3A_307 in 1 : vector<24x1xi32>, vector<24x1xi32>, vector<24x1xi32>, vector<24x1xi32>, vector<24x1xi32> -> vector<24x5xi32>
    %swap3A_311 = arith.constant 0 : index
    %swap3A_312 = arith.constant 0 : index
    %swap3A_313 = vector.load %arg5[%swap3A_311, %swap3A_312] : memref<24x5xi32, #tpu.memory_space<vmem>>, vector<24x5xi32>
    tpu.vector_store %arg5[%swap3A_311, %swap3A_312], %concatenate3A {strides = array<i32>} : memref<24x5xi32, #tpu.memory_space<vmem>>, vector<24x5xi32>,
    %reduce_sum3A_314 = arith.constant dense<0.000000e+00> : vector<8xf32>
    %reduce_sum3A_315 = vector.multi_reduction <add>, %div3A_10, %reduce_sum3A_314 [0] : vector<2048x8xf32> to vector<8xf32>
    %broadcast_in_dim3A_316 = vector.shape_cast %reduce_sum3A_315 : vector<8xf32> to vector<1x8xf32>
    %convert_element_type3A_317 = arith.sitofp %broadcast_in_dim3A_131 : vector<1x8xi32> to vector<1x8xf32>
    %add3A_318 = arith.constant 2.048000e+03 : f32
    %add3A_319 = arith.constant 9.99999997E-7 : f32
    %add3A_320 = arith.addf %add3A_318, %add3A_319 : f32
    %div3A_321 = vector.broadcast %add3A_320 : f32 to vector<1x8xf32>
    %div3A_322 = arith.divf %convert_element_type3A_317, %div3A_321 : vector<1x8xf32>
    %mul3A_323 = arith.mulf %div3A_322, %broadcast_in_dim3A_316 : vector<1x8xf32>
    %reduce_sum3A_324 = vector.shape_cast %mul3A_323 : vector<1x8xf32> to vector<1x1x8xf32>
    %reduce_sum3A_325 = arith.constant dense<0.000000e+00> : vector<1xf32>
    %reduce_sum3A_326 = vector.multi_reduction <add>, %reduce_sum3A_324, %reduce_sum3A_325 [1, 2] : vector<1x1x8xf32> to vector<1xf32>
    %reduce_sum3A_327 = vector.shape_cast %reduce_sum3A_326 : vector<1xf32> to vector<1x1x1xf32>
    %reduce_sum3A_328 = vector.extract %reduce_sum3A_327[0, 0, 0] : f32 from vector<1x1x1xf32>
    %broadcast_in_dim3A_329 = vector.broadcast %reduce_sum3A_328 : f32 to vector<1x1xf32>
    %mul3A_330 = arith.constant 8.000000e+00 : f32
    %mul3A_331 = vector.broadcast %mul3A_330 : f32 to vector<1x1xf32>
    %mul3A_332 = arith.mulf %broadcast_in_dim3A_329, %mul3A_331 : vector<1x1xf32>
    %swap3A_333 = arith.constant 0 : index
    %swap3A_334 = arith.constant 0 : index
    %swap3A_335 = vector.load %arg6[%swap3A_333, %swap3A_334] : memref<1x1xf32, #tpu.memory_space<vmem>>, vector<1x1xf32>
    tpu.vector_store %arg6[%swap3A_333, %swap3A_334], %mul3A_332 {strides = array<i32>} : memref<1x1xf32, #tpu.memory_space<vmem>>, vector<1x1xf32>,
    return
  }
}

module attributes {stable_mosaic.version = 14 : i64} {
  func.func @_ffn_body(%arg0: i32, %arg1: memref<24xi32, #tpu.memory_space<smem>>, %arg2: memref<24x5xi32, #tpu.memory_space<smem>>, %arg3: memref<128x768xf32, #tpu.memory_space<vmem>>, %arg4: memref<8x1536x768xf32, #tpu.memory_space<any>>, %arg5: memref<1x1x1536xf32, #tpu.memory_space<vmem>>, %arg6: memref<8x1536x768xf32, #tpu.memory_space<any>>, %arg7: memref<1x1x1536xf32, #tpu.memory_space<vmem>>, %arg8: memref<8x768x1536xf32, #tpu.memory_space<any>>, %arg9: memref<1x1x768xf32, #tpu.memory_space<vmem>>, %arg10: memref<128x128xf32, #tpu.memory_space<vmem>>, %arg11: memref<128x768xf32, #tpu.memory_space<vmem>>, %arg12: memref<2x1536x768xf32, #tpu.memory_space<vmem>>, %arg13: memref<2x1536x768xf32, #tpu.memory_space<vmem>>, %arg14: memref<2x768x1536xf32, #tpu.memory_space<vmem>>, %arg15: memref<2x3x!tpu.dma_semaphore, #tpu.memory_space<semaphore_mem>>) attributes {dimension_semantics = [#tpu.dimension_semantics<arbitrary>], iteration_bounds = array<i64: 24>, scalar_prefetch = 2 : i64, scratch_operands = 4 : i64, tpu.core_type = #tpu.core_type<tc>, window_params = [{transform_indices = @transform_0, window_bounds = array<i64: 128, 768>}, {}, {transform_indices = @transform_2, window_bounds = array<i64: 1, 1, 1536>}, {}, {transform_indices = @transform_4, window_bounds = array<i64: 1, 1, 1536>}, {}, {transform_indices = @transform_6, window_bounds = array<i64: 1, 1, 768>}, {transform_indices = @transform_7, window_bounds = array<i64: 128, 128>}, {transform_indices = @transform_8, window_bounds = array<i64: 128, 768>}]} {
    %get3A = arith.index_cast %arg0 : i32 to index
    %get3A_0 = arith.constant 0 : index
    %get3A_1 = memref.load %arg2[%get3A, %get3A_0] : memref<24x5xi32, #tpu.memory_space<smem>>
    %get3A_2 = arith.index_cast %arg0 : i32 to index
    %get3A_3 = arith.constant 1 : index
    %get3A_4 = memref.load %arg2[%get3A_2, %get3A_3] : memref<24x5xi32, #tpu.memory_space<smem>>
    %get3A_5 = arith.index_cast %arg0 : i32 to index
    %get3A_6 = arith.constant 2 : index
    %get3A_7 = memref.load %arg2[%get3A_5, %get3A_6] : memref<24x5xi32, #tpu.memory_space<smem>>
    %get3A_8 = arith.index_cast %arg0 : i32 to index
    %get3A_9 = arith.constant 3 : index
    %get3A_10 = memref.load %arg2[%get3A_8, %get3A_9] : memref<24x5xi32, #tpu.memory_space<smem>>
    %get3A_11 = arith.index_cast %arg0 : i32 to index
    %get3A_12 = arith.constant 4 : index
    %get3A_13 = memref.load %arg2[%get3A_11, %get3A_12] : memref<24x5xi32, #tpu.memory_space<smem>>
    %get3A_14 = arith.index_cast %arg0 : i32 to index
    %get3A_15 = memref.load %arg1[%get3A_14] : memref<24xi32, #tpu.memory_space<smem>>
    %eq3A = arith.constant 0 : i32
    %eq3A_16 = arith.cmpi eq, %arg0, %eq3A : i32
    %convert_element_type3A = arith.extui %eq3A_16 : i1 to i32
    %cond3A = arith.constant 0 : i32
    %cond3A_17 = arith.cmpi ne, %convert_element_type3A, %cond3A : i32
    scf.if %cond3A_17 {
      %dma_start3A = arith.constant 0 : i32
      %dma_start3A_30 = tpu.memref_slice %arg15[%get3A_4, %dma_start3A] : memref<2x3x!tpu.dma_semaphore, #tpu.memory_space<semaphore_mem>> -> memref<1x1x!tpu.dma_semaphore, #tpu.memory_space<semaphore_mem>>
      %dma_start3A_31 = tpu.memref_squeeze %dma_start3A_30 : memref<1x1x!tpu.dma_semaphore, #tpu.memory_space<semaphore_mem>> -> memref<!tpu.dma_semaphore, #tpu.memory_space<semaphore_mem>>
      %dma_start3A_32 = arith.constant 0 : i32
      %dma_start3A_33 = arith.constant 0 : i32
      %dma_start3A_34 = tpu.memref_slice %arg12[%get3A_4, %dma_start3A_32, %dma_start3A_33] : memref<2x1536x768xf32, #tpu.memory_space<vmem>> -> memref<1x1536x768xf32, #tpu.memory_space<vmem>>
      %dma_start3A_35 = tpu.memref_squeeze %dma_start3A_34 : memref<1x1536x768xf32, #tpu.memory_space<vmem>> -> memref<1536x768xf32, #tpu.memory_space<vmem>>
      %dma_start3A_36 = arith.constant 0 : i32
      %dma_start3A_37 = arith.constant 0 : i32
      %dma_start3A_38 = tpu.memref_slice %arg4[%get3A_15, %dma_start3A_36, %dma_start3A_37] : memref<8x1536x768xf32, #tpu.memory_space<any>> -> memref<1x1536x768xf32, #tpu.memory_space<any>>
      %dma_start3A_39 = tpu.memref_squeeze %dma_start3A_38 : memref<1x1536x768xf32, #tpu.memory_space<any>> -> memref<1536x768xf32, #tpu.memory_space<any>>
      tpu.enqueue_dma source(%dma_start3A_39 : memref<1536x768xf32, #tpu.memory_space<any>>) target(%dma_start3A_35 : memref<1536x768xf32, #tpu.memory_space<vmem>>) target_semaphore(%dma_start3A_31 : memref<!tpu.dma_semaphore, #tpu.memory_space<semaphore_mem>>)
      %dma_start3A_40 = arith.constant 1 : i32
      %dma_start3A_41 = tpu.memref_slice %arg15[%get3A_4, %dma_start3A_40] : memref<2x3x!tpu.dma_semaphore, #tpu.memory_space<semaphore_mem>> -> memref<1x1x!tpu.dma_semaphore, #tpu.memory_space<semaphore_mem>>
      %dma_start3A_42 = tpu.memref_squeeze %dma_start3A_41 : memref<1x1x!tpu.dma_semaphore, #tpu.memory_space<semaphore_mem>> -> memref<!tpu.dma_semaphore, #tpu.memory_space<semaphore_mem>>
      %dma_start3A_43 = arith.constant 0 : i32
      %dma_start3A_44 = arith.constant 0 : i32
      %dma_start3A_45 = tpu.memref_slice %arg13[%get3A_4, %dma_start3A_43, %dma_start3A_44] : memref<2x1536x768xf32, #tpu.memory_space<vmem>> -> memref<1x1536x768xf32, #tpu.memory_space<vmem>>
      %dma_start3A_46 = tpu.memref_squeeze %dma_start3A_45 : memref<1x1536x768xf32, #tpu.memory_space<vmem>> -> memref<1536x768xf32, #tpu.memory_space<vmem>>
      %dma_start3A_47 = arith.constant 0 : i32
      %dma_start3A_48 = arith.constant 0 : i32
      %dma_start3A_49 = tpu.memref_slice %arg6[%get3A_15, %dma_start3A_47, %dma_start3A_48] : memref<8x1536x768xf32, #tpu.memory_space<any>> -> memref<1x1536x768xf32, #tpu.memory_space<any>>
      %dma_start3A_50 = tpu.memref_squeeze %dma_start3A_49 : memref<1x1536x768xf32, #tpu.memory_space<any>> -> memref<1536x768xf32, #tpu.memory_space<any>>
      tpu.enqueue_dma source(%dma_start3A_50 : memref<1536x768xf32, #tpu.memory_space<any>>) target(%dma_start3A_46 : memref<1536x768xf32, #tpu.memory_space<vmem>>) target_semaphore(%dma_start3A_42 : memref<!tpu.dma_semaphore, #tpu.memory_space<semaphore_mem>>)
      %dma_start3A_51 = arith.constant 2 : i32
      %dma_start3A_52 = tpu.memref_slice %arg15[%get3A_4, %dma_start3A_51] : memref<2x3x!tpu.dma_semaphore, #tpu.memory_space<semaphore_mem>> -> memref<1x1x!tpu.dma_semaphore, #tpu.memory_space<semaphore_mem>>
      %dma_start3A_53 = tpu.memref_squeeze %dma_start3A_52 : memref<1x1x!tpu.dma_semaphore, #tpu.memory_space<semaphore_mem>> -> memref<!tpu.dma_semaphore, #tpu.memory_space<semaphore_mem>>
      %dma_start3A_54 = arith.constant 0 : i32
      %dma_start3A_55 = arith.constant 0 : i32
      %dma_start3A_56 = tpu.memref_slice %arg14[%get3A_4, %dma_start3A_54, %dma_start3A_55] : memref<2x768x1536xf32, #tpu.memory_space<vmem>> -> memref<1x768x1536xf32, #tpu.memory_space<vmem>>
      %dma_start3A_57 = tpu.memref_squeeze %dma_start3A_56 : memref<1x768x1536xf32, #tpu.memory_space<vmem>> -> memref<768x1536xf32, #tpu.memory_space<vmem>>
      %dma_start3A_58 = arith.constant 0 : i32
      %dma_start3A_59 = arith.constant 0 : i32
      %dma_start3A_60 = tpu.memref_slice %arg8[%get3A_15, %dma_start3A_58, %dma_start3A_59] : memref<8x768x1536xf32, #tpu.memory_space<any>> -> memref<1x768x1536xf32, #tpu.memory_space<any>>
      %dma_start3A_61 = tpu.memref_squeeze %dma_start3A_60 : memref<1x768x1536xf32, #tpu.memory_space<any>> -> memref<768x1536xf32, #tpu.memory_space<any>>
      tpu.enqueue_dma source(%dma_start3A_61 : memref<768x1536xf32, #tpu.memory_space<any>>) target(%dma_start3A_57 : memref<768x1536xf32, #tpu.memory_space<vmem>>) target_semaphore(%dma_start3A_53 : memref<!tpu.dma_semaphore, #tpu.memory_space<semaphore_mem>>)
    } else {
    }
    %eq3A_18 = arith.constant 1 : i32
    %eq3A_19 = arith.cmpi eq, %get3A_1, %eq3A_18 : i32
    %eq3A_20 = arith.constant 1 : i32
    %eq3A_21 = arith.cmpi eq, %get3A_13, %eq3A_20 : i32
    %and3A = arith.andi %eq3A_19, %eq3A_21 : i1
    %convert_element_type3A_22 = arith.extui %and3A : i1 to i32
    %cond3A_23 = arith.constant 0 : i32
    %cond3A_24 = arith.cmpi ne, %convert_element_type3A_22, %cond3A_23 : i32
    scf.if %cond3A_24 {
      %eq3A_30 = arith.constant 1 : i32
      %eq3A_31 = arith.cmpi eq, %get3A_10, %eq3A_30 : i32
      %convert_element_type3A_32 = arith.extui %eq3A_31 : i1 to i32
      %cond3A_33 = arith.constant 0 : i32
      %cond3A_34 = arith.cmpi ne, %convert_element_type3A_32, %cond3A_33 : i32
      scf.if %cond3A_34 {
        %sub3A = arith.constant 1 : i32
        %sub3A_67 = arith.subi %sub3A, %get3A_4 : i32
        %dma_start3A = arith.constant 0 : i32
        %dma_start3A_68 = tpu.memref_slice %arg15[%sub3A_67, %dma_start3A] : memref<2x3x!tpu.dma_semaphore, #tpu.memory_space<semaphore_mem>> -> memref<1x1x!tpu.dma_semaphore, #tpu.memory_space<semaphore_mem>>
        %dma_start3A_69 = tpu.memref_squeeze %dma_start3A_68 : memref<1x1x!tpu.dma_semaphore, #tpu.memory_space<semaphore_mem>> -> memref<!tpu.dma_semaphore, #tpu.memory_space<semaphore_mem>>
        %dma_start3A_70 = arith.constant 0 : i32
        %dma_start3A_71 = arith.constant 0 : i32
        %dma_start3A_72 = tpu.memref_slice %arg12[%sub3A_67, %dma_start3A_70, %dma_start3A_71] : memref<2x1536x768xf32, #tpu.memory_space<vmem>> -> memref<1x1536x768xf32, #tpu.memory_space<vmem>>
        %dma_start3A_73 = tpu.memref_squeeze %dma_start3A_72 : memref<1x1536x768xf32, #tpu.memory_space<vmem>> -> memref<1536x768xf32, #tpu.memory_space<vmem>>
        %dma_start3A_74 = arith.constant 0 : i32
        %dma_start3A_75 = arith.constant 0 : i32
        %dma_start3A_76 = tpu.memref_slice %arg4[%get3A_7, %dma_start3A_74, %dma_start3A_75] : memref<8x1536x768xf32, #tpu.memory_space<any>> -> memref<1x1536x768xf32, #tpu.memory_space<any>>
        %dma_start3A_77 = tpu.memref_squeeze %dma_start3A_76 : memref<1x1536x768xf32, #tpu.memory_space<any>> -> memref<1536x768xf32, #tpu.memory_space<any>>
        tpu.enqueue_dma source(%dma_start3A_77 : memref<1536x768xf32, #tpu.memory_space<any>>) target(%dma_start3A_73 : memref<1536x768xf32, #tpu.memory_space<vmem>>) target_semaphore(%dma_start3A_69 : memref<!tpu.dma_semaphore, #tpu.memory_space<semaphore_mem>>)
        %dma_start3A_78 = arith.constant 1 : i32
        %dma_start3A_79 = tpu.memref_slice %arg15[%sub3A_67, %dma_start3A_78] : memref<2x3x!tpu.dma_semaphore, #tpu.memory_space<semaphore_mem>> -> memref<1x1x!tpu.dma_semaphore, #tpu.memory_space<semaphore_mem>>
        %dma_start3A_80 = tpu.memref_squeeze %dma_start3A_79 : memref<1x1x!tpu.dma_semaphore, #tpu.memory_space<semaphore_mem>> -> memref<!tpu.dma_semaphore, #tpu.memory_space<semaphore_mem>>
        %dma_start3A_81 = arith.constant 0 : i32
        %dma_start3A_82 = arith.constant 0 : i32
        %dma_start3A_83 = tpu.memref_slice %arg13[%sub3A_67, %dma_start3A_81, %dma_start3A_82] : memref<2x1536x768xf32, #tpu.memory_space<vmem>> -> memref<1x1536x768xf32, #tpu.memory_space<vmem>>
        %dma_start3A_84 = tpu.memref_squeeze %dma_start3A_83 : memref<1x1536x768xf32, #tpu.memory_space<vmem>> -> memref<1536x768xf32, #tpu.memory_space<vmem>>
        %dma_start3A_85 = arith.constant 0 : i32
        %dma_start3A_86 = arith.constant 0 : i32
        %dma_start3A_87 = tpu.memref_slice %arg6[%get3A_7, %dma_start3A_85, %dma_start3A_86] : memref<8x1536x768xf32, #tpu.memory_space<any>> -> memref<1x1536x768xf32, #tpu.memory_space<any>>
        %dma_start3A_88 = tpu.memref_squeeze %dma_start3A_87 : memref<1x1536x768xf32, #tpu.memory_space<any>> -> memref<1536x768xf32, #tpu.memory_space<any>>
        tpu.enqueue_dma source(%dma_start3A_88 : memref<1536x768xf32, #tpu.memory_space<any>>) target(%dma_start3A_84 : memref<1536x768xf32, #tpu.memory_space<vmem>>) target_semaphore(%dma_start3A_80 : memref<!tpu.dma_semaphore, #tpu.memory_space<semaphore_mem>>)
        %dma_start3A_89 = arith.constant 2 : i32
        %dma_start3A_90 = tpu.memref_slice %arg15[%sub3A_67, %dma_start3A_89] : memref<2x3x!tpu.dma_semaphore, #tpu.memory_space<semaphore_mem>> -> memref<1x1x!tpu.dma_semaphore, #tpu.memory_space<semaphore_mem>>
        %dma_start3A_91 = tpu.memref_squeeze %dma_start3A_90 : memref<1x1x!tpu.dma_semaphore, #tpu.memory_space<semaphore_mem>> -> memref<!tpu.dma_semaphore, #tpu.memory_space<semaphore_mem>>
        %dma_start3A_92 = arith.constant 0 : i32
        %dma_start3A_93 = arith.constant 0 : i32
        %dma_start3A_94 = tpu.memref_slice %arg14[%sub3A_67, %dma_start3A_92, %dma_start3A_93] : memref<2x768x1536xf32, #tpu.memory_space<vmem>> -> memref<1x768x1536xf32, #tpu.memory_space<vmem>>
        %dma_start3A_95 = tpu.memref_squeeze %dma_start3A_94 : memref<1x768x1536xf32, #tpu.memory_space<vmem>> -> memref<768x1536xf32, #tpu.memory_space<vmem>>
        %dma_start3A_96 = arith.constant 0 : i32
        %dma_start3A_97 = arith.constant 0 : i32
        %dma_start3A_98 = tpu.memref_slice %arg8[%get3A_7, %dma_start3A_96, %dma_start3A_97] : memref<8x768x1536xf32, #tpu.memory_space<any>> -> memref<1x768x1536xf32, #tpu.memory_space<any>>
        %dma_start3A_99 = tpu.memref_squeeze %dma_start3A_98 : memref<1x768x1536xf32, #tpu.memory_space<any>> -> memref<768x1536xf32, #tpu.memory_space<any>>
        tpu.enqueue_dma source(%dma_start3A_99 : memref<768x1536xf32, #tpu.memory_space<any>>) target(%dma_start3A_95 : memref<768x1536xf32, #tpu.memory_space<vmem>>) target_semaphore(%dma_start3A_91 : memref<!tpu.dma_semaphore, #tpu.memory_space<semaphore_mem>>)
      } else {
      }
      %dma_wait3A = arith.constant 0 : i32
      %dma_wait3A_35 = tpu.memref_slice %arg15[%get3A_4, %dma_wait3A] : memref<2x3x!tpu.dma_semaphore, #tpu.memory_space<semaphore_mem>> -> memref<1x1x!tpu.dma_semaphore, #tpu.memory_space<semaphore_mem>>
      %dma_wait3A_36 = tpu.memref_squeeze %dma_wait3A_35 : memref<1x1x!tpu.dma_semaphore, #tpu.memory_space<semaphore_mem>> -> memref<!tpu.dma_semaphore, #tpu.memory_space<semaphore_mem>>
      %dma_wait3A_37 = arith.constant 0 : i32
      %dma_wait3A_38 = arith.constant 0 : i32
      %dma_wait3A_39 = tpu.memref_slice %arg12[%get3A_4, %dma_wait3A_37, %dma_wait3A_38] : memref<2x1536x768xf32, #tpu.memory_space<vmem>> -> memref<1x1536x768xf32, #tpu.memory_space<vmem>>
      %dma_wait3A_40 = tpu.memref_squeeze %dma_wait3A_39 : memref<1x1536x768xf32, #tpu.memory_space<vmem>> -> memref<1536x768xf32, #tpu.memory_space<vmem>>
      %dma_wait3A_41 = arith.constant 0 : i32
      %dma_wait3A_42 = arith.constant 0 : i32
      %dma_wait3A_43 = tpu.memref_slice %arg4[%get3A_15, %dma_wait3A_41, %dma_wait3A_42] : memref<8x1536x768xf32, #tpu.memory_space<any>> -> memref<1x1536x768xf32, #tpu.memory_space<any>>
      %dma_wait3A_44 = tpu.memref_squeeze %dma_wait3A_43 : memref<1x1536x768xf32, #tpu.memory_space<any>> -> memref<1536x768xf32, #tpu.memory_space<any>>
      tpu.wait_dma2 semaphore(%dma_wait3A_36 : memref<!tpu.dma_semaphore, #tpu.memory_space<semaphore_mem>>) src(%dma_wait3A_44 : memref<1536x768xf32, #tpu.memory_space<any>>) dst(%dma_wait3A_40 : memref<1536x768xf32, #tpu.memory_space<vmem>>)
      %dma_wait3A_45 = arith.constant 1 : i32
      %dma_wait3A_46 = tpu.memref_slice %arg15[%get3A_4, %dma_wait3A_45] : memref<2x3x!tpu.dma_semaphore, #tpu.memory_space<semaphore_mem>> -> memref<1x1x!tpu.dma_semaphore, #tpu.memory_space<semaphore_mem>>
      %dma_wait3A_47 = tpu.memref_squeeze %dma_wait3A_46 : memref<1x1x!tpu.dma_semaphore, #tpu.memory_space<semaphore_mem>> -> memref<!tpu.dma_semaphore, #tpu.memory_space<semaphore_mem>>
      %dma_wait3A_48 = arith.constant 0 : i32
      %dma_wait3A_49 = arith.constant 0 : i32
      %dma_wait3A_50 = tpu.memref_slice %arg13[%get3A_4, %dma_wait3A_48, %dma_wait3A_49] : memref<2x1536x768xf32, #tpu.memory_space<vmem>> -> memref<1x1536x768xf32, #tpu.memory_space<vmem>>
      %dma_wait3A_51 = tpu.memref_squeeze %dma_wait3A_50 : memref<1x1536x768xf32, #tpu.memory_space<vmem>> -> memref<1536x768xf32, #tpu.memory_space<vmem>>
      %dma_wait3A_52 = arith.constant 0 : i32
      %dma_wait3A_53 = arith.constant 0 : i32
      %dma_wait3A_54 = tpu.memref_slice %arg6[%get3A_15, %dma_wait3A_52, %dma_wait3A_53] : memref<8x1536x768xf32, #tpu.memory_space<any>> -> memref<1x1536x768xf32, #tpu.memory_space<any>>
      %dma_wait3A_55 = tpu.memref_squeeze %dma_wait3A_54 : memref<1x1536x768xf32, #tpu.memory_space<any>> -> memref<1536x768xf32, #tpu.memory_space<any>>
      tpu.wait_dma2 semaphore(%dma_wait3A_47 : memref<!tpu.dma_semaphore, #tpu.memory_space<semaphore_mem>>) src(%dma_wait3A_55 : memref<1536x768xf32, #tpu.memory_space<any>>) dst(%dma_wait3A_51 : memref<1536x768xf32, #tpu.memory_space<vmem>>)
      %dma_wait3A_56 = arith.constant 2 : i32
      %dma_wait3A_57 = tpu.memref_slice %arg15[%get3A_4, %dma_wait3A_56] : memref<2x3x!tpu.dma_semaphore, #tpu.memory_space<semaphore_mem>> -> memref<1x1x!tpu.dma_semaphore, #tpu.memory_space<semaphore_mem>>
      %dma_wait3A_58 = tpu.memref_squeeze %dma_wait3A_57 : memref<1x1x!tpu.dma_semaphore, #tpu.memory_space<semaphore_mem>> -> memref<!tpu.dma_semaphore, #tpu.memory_space<semaphore_mem>>
      %dma_wait3A_59 = arith.constant 0 : i32
      %dma_wait3A_60 = arith.constant 0 : i32
      %dma_wait3A_61 = tpu.memref_slice %arg14[%get3A_4, %dma_wait3A_59, %dma_wait3A_60] : memref<2x768x1536xf32, #tpu.memory_space<vmem>> -> memref<1x768x1536xf32, #tpu.memory_space<vmem>>
      %dma_wait3A_62 = tpu.memref_squeeze %dma_wait3A_61 : memref<1x768x1536xf32, #tpu.memory_space<vmem>> -> memref<768x1536xf32, #tpu.memory_space<vmem>>
      %dma_wait3A_63 = arith.constant 0 : i32
      %dma_wait3A_64 = arith.constant 0 : i32
      %dma_wait3A_65 = tpu.memref_slice %arg8[%get3A_15, %dma_wait3A_63, %dma_wait3A_64] : memref<8x768x1536xf32, #tpu.memory_space<any>> -> memref<1x768x1536xf32, #tpu.memory_space<any>>
      %dma_wait3A_66 = tpu.memref_squeeze %dma_wait3A_65 : memref<1x768x1536xf32, #tpu.memory_space<any>> -> memref<768x1536xf32, #tpu.memory_space<any>>
      tpu.wait_dma2 semaphore(%dma_wait3A_58 : memref<!tpu.dma_semaphore, #tpu.memory_space<semaphore_mem>>) src(%dma_wait3A_66 : memref<768x1536xf32, #tpu.memory_space<any>>) dst(%dma_wait3A_62 : memref<768x1536xf32, #tpu.memory_space<vmem>>)
    } else {
    }
    %eq3A_25 = arith.constant 1 : i32
    %eq3A_26 = arith.cmpi eq, %get3A_13, %eq3A_25 : i32
    %convert_element_type3A_27 = arith.extui %eq3A_26 : i1 to i32
    %cond3A_28 = arith.constant 0 : i32
    %cond3A_29 = arith.cmpi ne, %convert_element_type3A_27, %cond3A_28 : i32
    scf.if %cond3A_29 {
      %get3A_30 = arith.constant 0 : index
      %get3A_31 = arith.constant 0 : index
      %get3A_32 = vector.load %arg3[%get3A_30, %get3A_31] : memref<128x768xf32, #tpu.memory_space<vmem>>, vector<128x768xf32>
      %convert_element_type3A_33 = arith.truncf %get3A_32 : vector<128x768xf32> to vector<128x768xbf16>
      %get3A_34 = arith.index_cast %get3A_4 : i32 to index
      %get3A_35 = arith.constant 0 : index
      %get3A_36 = arith.constant 0 : index
      %get3A_37 = vector.load %arg12[%get3A_34, %get3A_35, %get3A_36] : memref<2x1536x768xf32, #tpu.memory_space<vmem>>, vector<1x1536x768xf32>
      %squeeze3A = vector.shape_cast %get3A_37 : vector<1x1536x768xf32> to vector<1536x768xf32>
      %convert_element_type3A_38 = arith.truncf %squeeze3A : vector<1536x768xf32> to vector<1536x768xbf16>
      %get3A_39 = arith.index_cast %get3A_4 : i32 to index
      %get3A_40 = arith.constant 0 : index
      %get3A_41 = arith.constant 0 : index
      %get3A_42 = vector.load %arg13[%get3A_39, %get3A_40, %get3A_41] : memref<2x1536x768xf32, #tpu.memory_space<vmem>>, vector<1x1536x768xf32>
      %squeeze3A_43 = vector.shape_cast %get3A_42 : vector<1x1536x768xf32> to vector<1536x768xf32>
      %convert_element_type3A_44 = arith.truncf %squeeze3A_43 : vector<1536x768xf32> to vector<1536x768xbf16>
      %get3A_45 = arith.index_cast %get3A_4 : i32 to index
      %get3A_46 = arith.constant 0 : index
      %get3A_47 = arith.constant 0 : index
      %get3A_48 = vector.load %arg14[%get3A_45, %get3A_46, %get3A_47] : memref<2x768x1536xf32, #tpu.memory_space<vmem>>, vector<1x768x1536xf32>
      %squeeze3A_49 = vector.shape_cast %get3A_48 : vector<1x768x1536xf32> to vector<768x1536xf32>
      %convert_element_type3A_50 = arith.truncf %squeeze3A_49 : vector<768x1536xf32> to vector<768x1536xbf16>
      %dot_general3A = arith.constant dense<0.000000e+00> : vector<128x1536xf32>
      %dot_general3A_51 = tpu.matmul %convert_element_type3A_33, %convert_element_type3A_38, %dot_general3A {dimension_numbers = #tpu.dot_dimension_numbers<[1], [1], [0], [0], [0, 0, 1, 0], [], []>, transpose_lhs_hint = false} : vector<128x768xbf16>, vector<1536x768xbf16>, vector<128x1536xf32> -> vector<128x1536xf32>
      %get3A_52 = arith.constant 0 : index
      %get3A_53 = arith.constant 0 : index
      %get3A_54 = arith.constant 0 : index
      %get3A_55 = vector.load %arg5[%get3A_52, %get3A_53, %get3A_54] : memref<1x1x1536xf32, #tpu.memory_space<vmem>>, vector<1x1x1536xf32>
      %get3A_56 = vector.shape_cast %get3A_55 : vector<1x1x1536xf32> to vector<1x1536xf32>
      %add3A = vector.broadcast %get3A_56 : vector<1x1536xf32> to vector<128x1536xf32>
      %add3A_57 = arith.addf %dot_general3A_51, %add3A : vector<128x1536xf32>
      %dot_general3A_58 = arith.constant dense<0.000000e+00> : vector<128x1536xf32>
      %dot_general3A_59 = tpu.matmul %convert_element_type3A_33, %convert_element_type3A_44, %dot_general3A_58 {dimension_numbers = #tpu.dot_dimension_numbers<[1], [1], [0], [0], [0, 0, 1, 0], [], []>, transpose_lhs_hint = false} : vector<128x768xbf16>, vector<1536x768xbf16>, vector<128x1536xf32> -> vector<128x1536xf32>
      %get3A_60 = arith.constant 0 : index
      %get3A_61 = arith.constant 0 : index
      %get3A_62 = arith.constant 0 : index
      %get3A_63 = vector.load %arg7[%get3A_60, %get3A_61, %get3A_62] : memref<1x1x1536xf32, #tpu.memory_space<vmem>>, vector<1x1x1536xf32>
      %get3A_64 = vector.shape_cast %get3A_63 : vector<1x1x1536xf32> to vector<1x1536xf32>
      %add3A_65 = vector.broadcast %get3A_64 : vector<1x1536xf32> to vector<128x1536xf32>
      %add3A_66 = arith.addf %dot_general3A_59, %add3A_65 : vector<128x1536xf32>
      %logistic3A = arith.negf %add3A_66 : vector<128x1536xf32>
      %logistic3A_67 = math.exp %logistic3A : vector<128x1536xf32>
      %logistic3A_68 = arith.constant 1.000000e+00 : f32
      %logistic3A_69 = vector.broadcast %logistic3A_68 : f32 to vector<128x1536xf32>
      %logistic3A_70 = arith.addf %logistic3A_69, %logistic3A_67 : vector<128x1536xf32>
      %logistic3A_71 = arith.divf %logistic3A_69, %logistic3A_70 : vector<128x1536xf32>
      %mul3A = arith.mulf %add3A_66, %logistic3A_71 : vector<128x1536xf32>
      %mul3A_72 = arith.mulf %mul3A, %add3A_57 : vector<128x1536xf32>
      %convert_element_type3A_73 = arith.truncf %mul3A_72 : vector<128x1536xf32> to vector<128x1536xbf16>
      %dot_general3A_74 = arith.constant dense<0.000000e+00> : vector<128x768xf32>
      %dot_general3A_75 = tpu.matmul %convert_element_type3A_73, %convert_element_type3A_50, %dot_general3A_74 {dimension_numbers = #tpu.dot_dimension_numbers<[1], [1], [0], [0], [0, 0, 1, 0], [], []>, transpose_lhs_hint = false} : vector<128x1536xbf16>, vector<768x1536xbf16>, vector<128x768xf32> -> vector<128x768xf32>
      %get3A_76 = arith.constant 0 : index
      %get3A_77 = arith.constant 0 : index
      %get3A_78 = arith.constant 0 : index
      %get3A_79 = vector.load %arg9[%get3A_76, %get3A_77, %get3A_78] : memref<1x1x768xf32, #tpu.memory_space<vmem>>, vector<1x1x768xf32>
      %get3A_80 = vector.shape_cast %get3A_79 : vector<1x1x768xf32> to vector<1x768xf32>
      %add3A_81 = vector.broadcast %get3A_80 : vector<1x768xf32> to vector<128x768xf32>
      %add3A_82 = arith.addf %dot_general3A_75, %add3A_81 : vector<128x768xf32>
      %get3A_83 = arith.constant 0 : index
      %get3A_84 = arith.constant 0 : index
      %get3A_85 = vector.load %arg10[%get3A_83, %get3A_84] : memref<128x128xf32, #tpu.memory_space<vmem>>, vector<128x128xf32>
      %slice3A = vector.extract_strided_slice %get3A_85 {offsets = [0, 0], sizes = [128, 1], strides = [1, 1]} : vector<128x128xf32> to vector<128x1xf32>
      %mul3A_86 = vector.broadcast %slice3A : vector<128x1xf32> to vector<128x768xf32>
      %mul3A_87 = arith.mulf %add3A_82, %mul3A_86 : vector<128x768xf32>
      %swap3A = arith.constant 0 : index
      %swap3A_88 = arith.constant 0 : index
      %swap3A_89 = vector.load %arg11[%swap3A, %swap3A_88] : memref<128x768xf32, #tpu.memory_space<vmem>>, vector<128x768xf32>
      tpu.vector_store %arg11[%swap3A, %swap3A_88], %mul3A_87 {strides = array<i32>} : memref<128x768xf32, #tpu.memory_space<vmem>>, vector<128x768xf32>,
    } else {
    }
    return
  }
  func.func @transform_0(%arg0: i32, %arg1: memref<24xi32, #tpu.memory_space<smem>>, %arg2: memref<24x5xi32, #tpu.memory_space<smem>>) -> (i32, i32) {
    %c0_i32 = arith.constant 0 : i32
    %c0_i32_0 = arith.constant 0 : i32
    return %arg0, %c0_i32 : i32, i32
  }
  func.func @transform_2(%arg0: i32, %arg1: memref<24xi32, #tpu.memory_space<smem>>, %arg2: memref<24x5xi32, #tpu.memory_space<smem>>) -> (i32, i32, i32) {
    %get3A = arith.index_cast %arg0 : i32 to index
    %get3A_0 = memref.load %arg1[%get3A] : memref<24xi32, #tpu.memory_space<smem>>
    %c0_i32 = arith.constant 0 : i32
    %c0_i32_1 = arith.constant 0 : i32
    %c0_i32_2 = arith.constant 0 : i32
    return %get3A_0, %c0_i32, %c0_i32_1 : i32, i32, i32
  }
  func.func @transform_4(%arg0: i32, %arg1: memref<24xi32, #tpu.memory_space<smem>>, %arg2: memref<24x5xi32, #tpu.memory_space<smem>>) -> (i32, i32, i32) {
    %get3A = arith.index_cast %arg0 : i32 to index
    %get3A_0 = memref.load %arg1[%get3A] : memref<24xi32, #tpu.memory_space<smem>>
    %c0_i32 = arith.constant 0 : i32
    %c0_i32_1 = arith.constant 0 : i32
    %c0_i32_2 = arith.constant 0 : i32
    return %get3A_0, %c0_i32, %c0_i32_1 : i32, i32, i32
  }
  func.func @transform_6(%arg0: i32, %arg1: memref<24xi32, #tpu.memory_space<smem>>, %arg2: memref<24x5xi32, #tpu.memory_space<smem>>) -> (i32, i32, i32) {
    %get3A = arith.index_cast %arg0 : i32 to index
    %get3A_0 = memref.load %arg1[%get3A] : memref<24xi32, #tpu.memory_space<smem>>
    %c0_i32 = arith.constant 0 : i32
    %c0_i32_1 = arith.constant 0 : i32
    %c0_i32_2 = arith.constant 0 : i32
    return %get3A_0, %c0_i32, %c0_i32_1 : i32, i32, i32
  }
  func.func @transform_7(%arg0: i32, %arg1: memref<24xi32, #tpu.memory_space<smem>>, %arg2: memref<24x5xi32, #tpu.memory_space<smem>>) -> (i32, i32) {
    %c0_i32 = arith.constant 0 : i32
    %c0_i32_0 = arith.constant 0 : i32
    return %arg0, %c0_i32 : i32, i32
  }
  func.func @transform_8(%arg0: i32, %arg1: memref<24xi32, #tpu.memory_space<smem>>, %arg2: memref<24x5xi32, #tpu.memory_space<smem>>) -> (i32, i32) {
    %c0_i32 = arith.constant 0 : i32
    %c0_i32_0 = arith.constant 0 : i32
    return %arg0, %c0_i32 : i32, i32
  }
}

</mosaic_0001>

<sc_bundles>
// kernel: kernel.6.cloned.1.call-start
scs
__scs_entry_jumppad:
0x0: {  	(pc) =	sbr.rel $0x88, $3  }
0x1: {  	(tag) =	ssettag $0x0;
	lr =	simm.s32 $0x1  }
0x2: {  	[smem:$0x3F99] =	sst lr;
	_ =	strace $0xD0000000  }
0x3: {  	_ = 	snop  }
0x4: {  	_ = 	snop  }
0x5: {  	_ = 	snop  }
0x6: {  	_ = 	snop  }
0x7: {  	_ = 	snop  }
__scs_overlays_trampoline_lowered:
0x8: {  	[smem:$0x3FA8] =	sst s0  }
0x9: {  	[smem:$0x3FA9] =	sst s1  }
0xa: {  	[smem:$0x3FAA] =	sst s2  }
0xb: {  	[smem:$0x3FAB] =	sst s3  }
0xc: {  	[smem:$0x3FAC] =	sst s4  }
0xd: {  	[smem:$0x3FAD] =	sst s5  }
0xe: {  	[smem:$0x3FAE] =	sst s6  }
0xf: {  	[smem:$0x3FAF] =	sst s7  }
0x10: {  	[smem:$0x3FB0] =	sst s8  }
0x11: {  	[smem:$0x3FB1] =	sst s9;
	s0 =	simm.s32 @!p0 $0x0  }
0x12: {  	s1 =	sld [smem:$0x3F97];
	s0 =	simm.s32 @p0 $0x1  }
0x13: {  	[smem:$0x3FB2] =	sst s0;
	s0 =	simm.s32 @!p1 $0x0  }
0x14: {  	s2 =	sld [smem:$0x3F96];
	s0 =	simm.s32 @p1 $0x1  }
0x15: {  	[smem:$0x3FB3] =	sst s0;
	s0 =	simm.s32 @!p2 $0x0  }
0x16: {  	s3 =	sld [smem:$0x3FDB];
	s0 =	simm.s32 @p2 $0x1  }
0x17: {  	s4 =	simm.s32 $0x1BF5;
	[smem:$0x3FB5] =	sst s0  }
0x18: {  	s0 =	sld [smem:$0x3F98];
	_ =	swait.ge [sflag:s4], $0x0  }
0x19: {  	s7 =	sld [smem:$0x3F99]  }
0x1a: {  	s8 =	sadd.s32 $0xFFFFE003, lr  }
0x1b: {  	s9 =	sadd.s32 $0xFFFFFEF7, lr;
	s5 =	simm.s32 $0xFFFFFFFF;
	p2 =	slt.u32 s8, $0xFFFFF086  }
0x1c: {  	p1 =	slt.u32 s9, $0xF7A;
	s5 =	simm.s32 @!p2 $0x0  }
0x1d: {  	s5 =	simm.s32 @p1 $0x1;
	p0 =	seq.s32 s7, s2  }
0x1e: {  	s7 =	smul.u32 @!p0 $0xF7A, s2;
	p2 =	seq.s32 @!p0 s5, $0x0  }
0x1f: {  	s9 =	smul.u32 $0xF7A, s1;
	s8 =	simm.s32 @!p0 $0x1BF5;
	p2 =	por !p2, p0  }
0x20: {  	[sflag:s8] =	ssyncset.s32 @!p0 $0xFFFFF086;
	s6 =	sadd.s32 @!p0 s3, s7;
	s7 =	simm.s32 @!p0 $0x108  }
0x21: {  	s3 =	sadd.s32 s3, s9;
	s6 =	sadd.s32 @!p0 $0x88, s6;
	s7 =	simm.s32 @p2 $0x1082  }
0x22: {  	[simem:s7], [sflag:s8] =	dma.local @!p0 [hbm:s6], $0xF7A  }
0x23: {  	s9 =	sor.u32 $0xD0000000, s2;
	s6 =	simm.s32 $0x108;
	_ =	swait.ge @!p0 [sflag:s8], $0x0  }
0x24: {  	s3 =	sadd.s32 $0x88, s3;
	s6 =	simm.s32 @!p1 $0x1082;
	[sflag:s4] =	ssyncset.s32 $0xFFFFF086  }
0x25: {  	[simem:s6], [sflag:s4] =	dma.local [hbm:s3], $0xF7A  }
0x26: {  	[smem:$0x3F99] =	sst s1;
	(tag) =	ssettag s2;
	_ =	strace s9  }
0x27: {  	s1 =	sld [smem:$0x3FA9]  }
0x28: {  	s2 =	sld [smem:$0x3FAA]  }
0x29: {  	s4 =	sld [smem:$0x3FAC]  }
0x2a: {  	p0 =	seq.s32 s5, $0x0;
	s5 =	sld [smem:$0x3FAD]  }
0x2b: {  	s6 =	sld [smem:$0x3FAE]  }
0x2c: {  	s7 =	sld [smem:$0x3FAF]  }
0x2d: {  	s3 =	simm.s32 $0x108;
	s8 =	sld [smem:$0x3FB0]  }
0x2e: {  	s3 =	simm.s32 @!p0 $0x1082;
	s9 =	sld [smem:$0x3FB1]  }
0x2f: {  	lr =	sadd.s32 s0, s3;
	s0 =	sld [smem:$0x3FA8]  }
0x30: {  	s3 =	sld [smem:$0x3FAB]  }
0x31: {  	[smem:$0x3FB4] =	sst s10  }
0x32: {  	s10 =	sld [smem:$0x3FB2];
	_ =	sdelay $0x3  }
0x33: {  	p0 =	seq.s32 s10, $0x1;
	s10 =	sld [smem:$0x3FB4];
	_ =	sdelay $0x3  }
0x34: {  	[smem:$0x3FB4] =	sst s10  }
0x35: {  	s10 =	sld [smem:$0x3FB3];
	_ =	sdelay $0x3  }
0x36: {  	p1 =	seq.s32 s10, $0x1;
	s10 =	sld [smem:$0x3FB4];
	_ =	sdelay $0x3  }
0x37: {  	[smem:$0x3FB4] =	sst s10  }
0x38: {  	s10 =	sld [smem:$0x3FB5]  }
0x39: {  	_ = 	snop;
	(pc) =	sbr.ind lr, $3  }
0x3a: {  	_ = 	snop  }
0x3b: {  	_ = 	snop  }
0x3c: {  	p2 =	seq.s32 s10, $0x1;
	s10 =	sld [smem:$0x3FB4]  }
0x3d: {  	_ =	shalt  }
0x3e: {  	_ =	shalt  }
0x3f: {  	_ =	shalt  }
0x40: {  	_ =	shalt  }
0x41: {  	_ =	shalt  }
0x42: {  	_ =	shalt  }
0x43: {  	_ =	shalt  }
0x44: {  	_ =	shalt  }
0x45: {  	_ =	shalt  }
0x46: {  	_ =	shalt  }
0x47: {  	_ =	shalt  }
0x48: {  	_ =	shalt  }
0x49: {  	_ =	shalt  }
0x4a: {  	_ =	shalt  }
0x4b: {  	_ =	shalt  }
0x4c: {  	_ =	shalt  }
0x4d: {  	_ =	shalt  }
0x4e: {  	_ =	shalt  }
0x4f: {  	_ =	shalt  }
0x50: {  	_ =	shalt  }
0x51: {  	_ =	shalt  }
0x52: {  	_ =	shalt  }
0x53: {  	_ =	shalt  }
0x54: {  	_ =	shalt  }
0x55: {  	_ =	shalt  }
0x56: {  	_ =	shalt  }
0x57: {  	_ =	shalt  }
0x58: {  	_ =	shalt  }
0x59: {  	_ =	shalt  }
0x5a: {  	_ =	shalt  }
0x5b: {  	_ =	shalt  }
0x5c: {  	_ =	shalt  }
0x5d: {  	_ =	shalt  }
0x5e: {  	_ =	shalt  }
0x5f: {  	_ =	shalt  }
0x60: {  	_ =	shalt  }
0x61: {  	_ =	shalt  }
0x62: {  	_ =	shalt  }
0x63: {  	_ =	shalt  }
0x64: {  	_ =	shalt  }
0x65: {  	_ =	shalt  }
0x66: {  	_ =	shalt  }
0x67: {  	_ =	shalt  }
0x68: {  	_ =	shalt  }
0x69: {  	_ =	shalt  }
0x6a: {  	_ =	shalt  }
0x6b: {  	_ =	shalt  }
0x6c: {  	_ =	shalt  }
0x6d: {  	_ =	shalt  }
0x6e: {  	_ =	shalt  }
0x6f: {  	_ =	shalt  }
0x70: {  	_ =	shalt  }
0x71: {  	_ =	shalt  }
0x72: {  	_ =	shalt  }
0x73: {  	_ =	shalt  }
0x74: {  	_ =	shalt  }
0x75: {  	_ =	shalt  }
0x76: {  	_ =	shalt  }
0x77: {  	_ =	shalt  }
0x78: {  	_ =	shalt  }
0x79: {  	_ =	shalt  }
0x7a: {  	_ =	shalt  }
0x7b: {  	_ =	shalt  }
0x7c: {  	_ =	shalt  }
0x7d: {  	_ =	shalt  }
0x7e: {  	_ =	shalt  }
0x7f: {  	_ =	shalt  }
0x80: {  	_ =	shalt  }
0x81: {  	_ =	shalt  }
0x82: {  	_ =	shalt  }
0x83: {  	_ =	shalt  }
0x84: {  	_ =	shalt  }
0x85: {  	_ =	shalt  }
0x86: {  	_ =	shalt  }
0x87: {  	_ =	shalt  }
.Lfunc_end0:
.L_simem_size_0:
called_computation_lowered:
.L_overlay_start_0:
0x88: {  	s2 =	sld [smem:$0x3FD9]  }
0x89: {  	s3 =	sld [smem:$0x3FFE];
	_ =	sdelay $0x1  }
0x8a: {  	s1 =	srdreg.scid  }
0x8b: {  	s0 =	sand.u32 $0x1, s1  }
0x8c: {  	s14 =	sshll.u32 s0, $0xA;
	s2 =	sadd.s32 s3, s2  }
0x8d: {  	s2 =	sadd.s32 s2, s14  }
0x8e: {  	[smem:$0x3FC0] =	sst s2  }
0x8f: {  	_ = 	snop  }
0x90: {  	s2 =	sld [smem:$0x3FD0];
	_ =	sdelay $0x2  }
0x91: {  	s4 =	simm.s32 $0xA;
	s5 =	simm.s32 $0x10;
	s15 =	sld [smem:$0x3FC9]  }
0x92: {  	[smem:s5], [sflag:s4] =	dma.local [hbm:s2], $0x1  }
0x93: {  	_ =	swait.eq [sflag:s4], $0x1  }
0x94: {  	[sflag:s4] =	ssyncset.done $0x0  }
0x95: {  	[sflag:s4] =	ssyncadd.s32 $0xFFFFFFFF  }
0x96: {  	s16 =	sld [smem:$0x10];
	(tm) =	ssettm $0x1  }
0x97: {  	s17 =	sld [smem:$0x3FFB];
	_ =	sdelay $0x3  }
0x98: {  	_ =	strace s17  }
0x99: {  	s4 =	sld [smem:$0x3FFC];
	_ =	sdelay $0x3  }
0x9a: {  	_ =	strace s4  }
0x9b: {  	s4 =	sld [smem:$0x3FFD];
	_ =	sdelay $0x3  }
0x9c: {  	_ =	strace s4  }
0x9d: {  	_ =	strace $0x8FFFFFFF  }
0x9e: {  	s18 =	sld [smem:$0x3FDB];
	_ =	sdelay $0x1  }
0x9f: {  	s19 =	simm.s32 $_scs_section_size  }
0xa0: {  	s6 =	simm.s32 $_size__tile_overlayer_lowered;
	s7 =	simm.s32 $_tile_overlayer_lowered  }
0xa1: {  	s22 =	simm.s32 $0x1BFF;
	s21 =	sshll.u32 s7, $0x1;
	s4 =	sadd.s32 s19, s18  }
0xa2: {  	s8 =	simm.s32 $0x0;
	s20 =	sshll.u32 s6, $0x1;
	s6 =	sadd.s32 s21, s4  }
0xa3: {  	[timem:s8], [sflag:s22] =	dma.local [hbm:s6], s20  }
0xa4: {  	_ =	swait.ge [sflag:s22], s20  }
0xa5: {  	s5 =	ssub.s32 $0x0, s20;
	[sflag:s22] =	ssyncset.done $0x0  }
0xa6: {  	[sflag:s22] =	ssyncadd.s32 s5;
	_ =	sdelay $0x1  }
0xa7: {  	s23 =	simm.s32 $0x1B8B  }
0xa8: {  	_ =	swait.ge [sflag:s23], $0x1  }
0xa9: {  	[sflag:s23] =	ssyncset.done $0x0  }
0xaa: {  	s25 =	simm.s32 $0x1B8E;
	s24 =	sld [smem:$0x3FFE];
	[sflag:s23] =	ssyncadd.s32 $0xFFFFFFFF  }
0xab: {  	s26 =	simm.s32 $execute0_lowered;
	[smem:$0x3FD2] =	sst s25  }
0xac: {  	s6 =	sshll.u32 s26, $0x1;
	_ =	strace $0x80000046;
	[dreg:$0x1] =	wrdreg $0xFFFFFFFF  }
0xad: {  	s28 =	simm.s32 $_size_execute0_lowered;
	s4 =	sadd.s32 s4, s6;
	[dreg:$0x0] =	wrdreg $0x0  }
0xae: {  	s6 =	sshll.u32 s28, $0x1;
	[dreg:$0x2] =	wrdreg s4  }
0xaf: {  	[dreg:$0x3] =	wrdreg s6  }
0xb0: {  	[dreg:$0x4] =	wrdreg $0xC0  }
0xb1: {  	_ =	task [dreg:s8], $0x5FFFF  }
0xb2: {  	[dreg:$0x1] =	wrdreg $0xFFFFFFFF  }
0xb3: {  	[dreg:$0x0] =	wrdreg $0x60  }
0xb4: {  	[dreg:$0x2] =	wrdreg s15  }
0xb5: {  	[dreg:$0x3] =	wrdreg s24  }
0xb6: {  	[dreg:$0x4] =	wrdreg s16  }
0xb7: {  	[dreg:$0x5] =	wrdreg $0x9  }
0xb8: {  	_ =	task.clear_ibuf [dreg:s8], $0x6FFFF;
	_ =	strace $0x90000046  }
0xb9: {  	s29 =	simm.s32 $0x9;
	_ =	strace $0x80000048  }
0xba: {  	_ =	swait.ge [sflag:s29], $0x1  }
0xbb: {  	[sflag:s29] =	ssyncadd.s32 $0xFFFFFFFF  }
0xbc: {  	_ =	strace $0x90000048  }
0xbd: {  	_ =	sfence  }
0xbe: {  	s30 =	sld [smem:$0x0];
	_ =	sdelay $0x2  }
0xbf: {  	s31 =	sshll.u32 s1, $0xD;
	s1 =	sshrl.u32 s1, $0x2  }
0xc0: {  	s3 =	sand.u32 $0x4000, s31;
	s1 =	sadd.s32 s1, s30  }
0xc1: {  	s0 =	sor.u32 s3, s0;
	s1 =	sshll.u32 s1, $0x11  }
0xc2: {  	s0 =	sor.u32 s1, s0  }
0xc3: {  	s0 =	sadd.s32 $0x8F2B, s0  }
0xc4: {  	[sflag:s0] =	ssyncadd.remote.s32 $0x1  }
0xc5: {  	_ =	sfence.sel $0xFFFF  }
0xc6: {  	[dreg:$0x0] =	wrdreg $0xFFFFFFFF;
	(pc) =	sbr.abs _section_cstart, $3  }
0xc7: {  	[dreg:$0x1] =	wrdreg $0xFFFFFFFF  }
0xc8: {  	_ =	task.clear_ibuf [dreg:s8], $0x2FFFF;
	_ =	strace $0x9FFFFFFF  }
0xc9: {  	(tm) =	ssettm $0x7FFFFFFF  }
tec
execute0_lowered:
.L_overlay_start_1:
0x0: {  	(tag) =	ssettag $0x1  }
0x1: {  	s1 =	rddreg [dreg:$0x0]  }
0x2: {  	s5 =	rddreg [dreg:$0x1];
	s2 =	srdreg.scid  }
0x3: {  	s3 =	rddreg [dreg:$0x2];
	s0 =	stileid.u32;
	s23 =	simm.s32 $0x880  }
0x4: {  	s24 =	simm.s32 $0x1080;
	s25 =	simm.s32 $0x1880;
	s8 =	simm.s32 $0x80  }
0x5: {  	s26 =	simm.s32 $0x2080;
	s9 =	simm.s32 $0xC080;
	s11 =	simm.s32 $0x3080  }
0x6: {  	s12 =	simm.s32 $0x3880;
	s13 =	simm.s32 $0x4080;
	s14 =	simm.s32 $0x4880  }
0x7: {  	s15 =	simm.s32 $0x5080;
	s16 =	simm.s32 $0x5880;
	s17 =	simm.s32 $0x6080  }
0x8: {  	s18 =	simm.s32 $0x6880;
	s19 =	simm.s32 $0x7080;
	s28 =	simm.s32 $0xB080  }
0x9: {  	s4 =	sand.u32 $0x1, s2;
	[dreg:$0x4] =	wrdreg s3;
	s2 =	simm.s32 $0x0  }
0xa: {  	s29 =	simm.s32 $0xB880;
	s30 =	simm.s32 $0x40;
	[smem:$0x7FF] =	sst s2  }
0xb: {  	s31 =	simm.s32 $0x1;
	_ =	strace $0x80000047;
	[dreg:$0x8] =	wrdreg s23  }
0xc: {  	s20 =	sshll.u32 s0, $0x7;
	s6 =	sshll.u32 s4, $0x6;
	[dreg:$0x9] =	wrdreg s24  }
0xd: {  	s4 =	ssub.s32 $0x2, s4;
	s3 =	sor.u32 s6, s20;
	[dreg:$0xa] =	wrdreg s25  }
0xe: {  	s21 =	sshrl.u32 s4, $0x1;
	[dreg:$0xb] =	wrdreg s26;
	s20 =	simm.s32 $0x7880  }
0xf: {  	s23 =	simm.s32 $0x9080;
	s24 =	simm.s32 $0x9880;
	s25 =	simm.s32 $0xA080  }
0x10: {  	s26 =	simm.s32 $0xA880;
	s6 =	sshrl.u32 s3, $0x3;
	s3 =	sshll.u32 s3, $0x4  }
0x11: {  	s7 =	sadd.s32 s6, s5;
	s6 =	smul.u32 $0x300, s6;
	s3 =	sadd.s32 s3, s5  }
0x12: {  	s7 =	sadd.s32 $0x9600, s7;
	s22 =	sadd.s32 $0x1600, s3;
	s3 =	sadd.s32 $0x9800, s5  }
0x13: {  	[dreg:$0x5] =	wrdreg s7;
	s1 =	sadd.s32 s1, s6;
	s6 =	ssub.s32 s4, s21  }
0x14: {  	v2 =	vlaneseq.u32;
	[dreg:$0x7] =	wrdreg s22;
	s4 =	sadd.s32 $0x9900, s5;
	s5 =	sadd.s32 $0x9A00, s5  }
0x15: {  	vm0 =	vmmov $0xffff;
	v1 =	vshrl.u32 v2, $0x3;
	s7 =	simm.s32 $0x3;
	s21 =	simm.s32 $0x8080;
	s22 =	simm.s32 $0x8880  }
0x16: {  	v0 =	vand.u32 $0x7, v2;
	v2 =	vor.u32 $0x8, v2;
	v1 =	vmul.u32 $0x8, v1;
	[dreg:$0x6] =	wrdreg s1;
	s6 =	smax.u32 s6, $0x1;
	s1 =	simm.s32 $0x2  }
.LBB2_1:
0x17: {  	s0 =	rddreg [dreg:$0x5]  }
0x18: {  	[tilespmem:s2], [sflag:$0x3] =	stream.linear.gather [hbm4b:s0+s2], $0x40, $0x38;
	[tilespmem:$0xE080] =	vst v63  }
0x19: {  	_ =	swait.ge [sflag:s7], $0x40  }
0x1a: {  	[sflag:s7] =	ssyncset.done $0x0  }
0x1b: {  	s10 =	rddreg [dreg:$0x6];
	[sflag:s7] =	ssyncadd.s32 $0xFFFFFFC0  }
0x1c: {  	[tilespmem:s8], [sflag:$0x3] =	stream.linear.gather [hbm4b:s10+s2], $0xC000, $0x38;
	[tilespmem:$0xE080] =	vst v63  }
0x1d: {  	_ =	swait.ge [sflag:s7], $0xC000  }
0x1e: {  	[sflag:s7] =	ssyncset.done $0x0  }
0x1f: {  	s10 =	rddreg [dreg:$0x7];
	[sflag:s7] =	ssyncadd.s32 $0xFFFF4000  }
0x20: {  	[tilespmem:s9], [sflag:$0x3] =	stream.linear.gather [hbm4b:s10+s2], $0x2000, $0x38;
	[tilespmem:$0xE080] =	vst v63  }
0x21: {  	_ =	swait.ge [sflag:s7], $0x2000  }
0x22: {  	[sflag:s7] =	ssyncset.done $0x0  }
0x23: {  	[sflag:s7] =	ssyncadd.s32 $0xFFFFE000  }
0x24: {  	v3 =	vld [tilespmem:$0x0];
	_ =	sdelay $0x4  }
0x25: {  	v4 =	vshrl.u32 v3, $0x3  }
0x26: {  	v4 =	vmul.u32 $0x30, v4  }
0x27: {  	v3 =	vand.u32 $0x7, v3  }
0x28: {  	v3 =	vor.u32 v3, v4  }
0x29: {  	v4 =	vperm.xlane v3, v0;
	_ =	sdelay $0x1  }
0x2a: {  	v4 =	vadd.s32 v1, v4;
	_ =	sdelay $0x3  }
0x2b: {  	v3 =	vperm.xlane v3, v2  }
0x2c: {  	[hbm4b:s3+s2] =	stream.indirect_vreg.scatter [tilespmem:s8], [sflag:$0x1], $0x80, v4, vm0, $0xb8;
	[tilespmem:$0xE080] =	vst v63  }
0x2d: {  	s0 =	rddreg [dreg:$0x8];
	v3 =	vadd.s32 v1, v3  }
0x2e: {  	[hbm4b:s4+s2] =	stream.indirect_vreg.scatter [tilespmem:s0], [sflag:$0x1], $0x80, v4, vm0, $0xb8;
	[tilespmem:$0xE080] =	vst v63  }
0x2f: {  	s10 =	rddreg [dreg:$0x9]  }
0x30: {  	[hbm4b:s5+s2] =	stream.indirect_vreg.scatter [tilespmem:s10], [sflag:$0x1], $0x80, v4, vm0, $0xb8;
	[tilespmem:$0xE080] =	vst v63  }
0x31: {  	s0 =	rddreg [dreg:$0xa]  }
0x32: {  	[hbm4b:s3+s2] =	stream.indirect_vreg.scatter [tilespmem:s0], [sflag:$0x1], $0x80, v3, vm0, $0xb8;
	[tilespmem:$0xE080] =	vst v63  }
0x33: {  	s10 =	rddreg [dreg:$0xb]  }
0x34: {  	[hbm4b:s4+s2] =	stream.indirect_vreg.scatter [tilespmem:s10], [sflag:$0x1], $0x80, v3, vm0, $0xb8;
	[tilespmem:$0xE080] =	vst v63  }
0x35: {  	s10 =	simm.s32 $0x2880  }
0x36: {  	[hbm4b:s5+s2] =	stream.indirect_vreg.scatter [tilespmem:s10], [sflag:$0x1], $0x80, v3, vm0, $0xb8;
	[tilespmem:$0xE080] =	vst v63  }
0x37: {  	v3 =	vld [tilespmem:$0x10];
	_ =	sdelay $0x4  }
0x38: {  	v61 =	vshrl.u32 v3, $0x3  }
0x39: {  	v4 =	vmul.u32 $0x30, v61  }
0x3a: {  	v3 =	vand.u32 $0x7, v3  }
0x3b: {  	v3 =	vor.u32 v3, v4  }
0x3c: {  	v4 =	vperm.xlane v3, v0;
	_ =	sdelay $0x1  }
0x3d: {  	v4 =	vadd.s32 v1, v4;
	_ =	sdelay $0x3  }
0x3e: {  	v3 =	vperm.xlane v3, v2  }
0x3f: {  	[hbm4b:s3+s2] =	stream.indirect_vreg.scatter [tilespmem:s11], [sflag:$0x1], $0x80, v4, vm0, $0xb8;
	[tilespmem:$0xE080] =	vst v63  }
0x40: {  	v3 =	vadd.s32 v1, v3  }
0x41: {  	[hbm4b:s4+s2] =	stream.indirect_vreg.scatter [tilespmem:s12], [sflag:$0x1], $0x80, v4, vm0, $0xb8;
	[tilespmem:$0xE080] =	vst v63  }
0x42: {  	_ = 	snop  }
0x43: {  	[hbm4b:s5+s2] =	stream.indirect_vreg.scatter [tilespmem:s13], [sflag:$0x1], $0x80, v4, vm0, $0xb8;
	[tilespmem:$0xE080] =	vst v63  }
0x44: {  	_ = 	snop  }
0x45: {  	[hbm4b:s3+s2] =	stream.indirect_vreg.scatter [tilespmem:s14], [sflag:$0x1], $0x80, v3, vm0, $0xb8;
	[tilespmem:$0xE080] =	vst v63  }
0x46: {  	_ = 	snop  }
0x47: {  	[hbm4b:s4+s2] =	stream.indirect_vreg.scatter [tilespmem:s15], [sflag:$0x1], $0x80, v3, vm0, $0xb8;
	[tilespmem:$0xE080] =	vst v63  }
0x48: {  	_ = 	snop  }
0x49: {  	[hbm4b:s5+s2] =	stream.indirect_vreg.scatter [tilespmem:s16], [sflag:$0x1], $0x80, v3, vm0, $0xb8;
	[tilespmem:$0xE080] =	vst v63  }
0x4a: {  	v3 =	vld [tilespmem:$0x20];
	_ =	sdelay $0x4  }
0x4b: {  	v62 =	vshrl.u32 v3, $0x3  }
0x4c: {  	v4 =	vmul.u32 $0x30, v62  }
0x4d: {  	v3 =	vand.u32 $0x7, v3  }
0x4e: {  	v3 =	vor.u32 v3, v4  }
0x4f: {  	v4 =	vperm.xlane v3, v0;
	_ =	sdelay $0x1  }
0x50: {  	v4 =	vadd.s32 v1, v4;
	_ =	sdelay $0x3  }
0x51: {  	v3 =	vperm.xlane v3, v2  }
0x52: {  	[hbm4b:s3+s2] =	stream.indirect_vreg.scatter [tilespmem:s17], [sflag:$0x1], $0x80, v4, vm0, $0xb8;
	[tilespmem:$0xE080] =	vst v63  }
0x53: {  	v3 =	vadd.s32 v1, v3  }
0x54: {  	[hbm4b:s4+s2] =	stream.indirect_vreg.scatter [tilespmem:s18], [sflag:$0x1], $0x80, v4, vm0, $0xb8;
	[tilespmem:$0xE080] =	vst v63  }
0x55: {  	_ = 	snop  }
0x56: {  	[hbm4b:s5+s2] =	stream.indirect_vreg.scatter [tilespmem:s19], [sflag:$0x1], $0x80, v4, vm0, $0xb8;
	[tilespmem:$0xE080] =	vst v63  }
0x57: {  	_ = 	snop  }
0x58: {  	[hbm4b:s3+s2] =	stream.indirect_vreg.scatter [tilespmem:s20], [sflag:$0x1], $0x80, v3, vm0, $0xb8;
	[tilespmem:$0xE080] =	vst v63  }
0x59: {  	_ = 	snop  }
0x5a: {  	[hbm4b:s4+s2] =	stream.indirect_vreg.scatter [tilespmem:s21], [sflag:$0x1], $0x80, v3, vm0, $0xb8;
	[tilespmem:$0xE080] =	vst v63  }
0x5b: {  	_ = 	snop  }
0x5c: {  	[hbm4b:s5+s2] =	stream.indirect_vreg.scatter [tilespmem:s22], [sflag:$0x1], $0x80, v3, vm0, $0xb8;
	[tilespmem:$0xE080] =	vst v63  }
0x5d: {  	v3 =	vld [tilespmem:$0x30];
	_ =	sdelay $0x4  }
0x5e: {  	v63 =	vshrl.u32 v3, $0x3  }
0x5f: {  	v4 =	vmul.u32 $0x30, v63  }
0x60: {  	v3 =	vand.u32 $0x7, v3  }
0x61: {  	v3 =	vor.u32 v3, v4  }
0x62: {  	v4 =	vperm.xlane v3, v0;
	_ =	sdelay $0x1  }
0x63: {  	v4 =	vadd.s32 v1, v4;
	_ =	sdelay $0x3  }
0x64: {  	v3 =	vperm.xlane v3, v2  }
0x65: {  	[hbm4b:s3+s2] =	stream.indirect_vreg.scatter [tilespmem:s23], [sflag:$0x1], $0x80, v4, vm0, $0xb8;
	[tilespmem:$0xE080] =	vst v63  }
0x66: {  	v3 =	vadd.s32 v1, v3  }
0x67: {  	[hbm4b:s4+s2] =	stream.indirect_vreg.scatter [tilespmem:s24], [sflag:$0x1], $0x80, v4, vm0, $0xb8;
	[tilespmem:$0xE080] =	vst v63  }
0x68: {  	_ = 	snop  }
0x69: {  	[hbm4b:s5+s2] =	stream.indirect_vreg.scatter [tilespmem:s25], [sflag:$0x1], $0x80, v4, vm0, $0xb8;
	[tilespmem:$0xE080] =	vst v63  }
0x6a: {  	_ = 	snop  }
0x6b: {  	[hbm4b:s3+s2] =	stream.indirect_vreg.scatter [tilespmem:s26], [sflag:$0x1], $0x80, v3, vm0, $0xb8;
	[tilespmem:$0xE080] =	vst v63  }
0x6c: {  	_ = 	snop  }
0x6d: {  	[hbm4b:s4+s2] =	stream.indirect_vreg.scatter [tilespmem:s28], [sflag:$0x1], $0x80, v3, vm0, $0xb8;
	[tilespmem:$0xE080] =	vst v63  }
0x6e: {  	_ = 	snop  }
0x6f: {  	[hbm4b:s5+s2] =	stream.indirect_vreg.scatter [tilespmem:s29], [sflag:$0x1], $0x80, v3, vm0, $0xb8;
	[tilespmem:$0xE080] =	vst v63  }
0x70: {  	s10 =	rddreg [dreg:$0x4]  }
0x71: {  	[hbm4b:s10+s30] =	stream.indirect.scatter [tilespmem:s9], [sflag:$0x2], $0x80, s2, s30, $0xb8;
	[tilespmem:$0xE080] =	vst v63  }
0x72: {  	p0 =	sne.s32 s6, $0x1;
	_ =	swait.ge [sflag:s31], $0xC000  }
.Ltmp0:
0x73: {  	[sflag:s31] =	ssyncset.done $0x0;
	(pc) =	sbr.rel @p0 .LBB2_1-.Ltmp0, $4  }
0x74: {  	[sflag:s31] =	ssyncadd.s32 $0xFFFF4000  }
0x75: {  	_ =	swait.ge [sflag:s1], $0x2000  }
0x76: {  	[sflag:s1] =	ssyncset.done $0x0  }
0x77: {  	s6 =	sadd.s32 $0xFFFFFFFF, s6;
	[sflag:s1] =	ssyncadd.s32 $0xFFFFE000  }
0x78: {  	_ =	sfence.sel $0x180000  }
0x79: {  	[bflag:$0x0] =	sbarrier.arrive $0xFFFF  }
0x7a: {  	_ =	strace $0x90000047  }
0x7b: {  	s0 =	stileid.u32;
	[bflag:$0x2] =	sbarrier.arrive $0xFFFF  }
0x7c: {  	p0 =	sne.s32 s0, $0x0;
	s0 =	rddreg [dreg:$0x3]  }
0x7d: {  	s0 =	sadd.s32 @!p0 $0x100000, s0  }
0x7e: {  	[sflag:s0] =	ssyncadd.tile.s32 @!p0 $0x1;
	_ =	shalt  }
.Lfunc_end2:
_tile_overlayer_lowered:
.L_overlay_start_2:
0x7f: {  	(tag) =	ssettag $0x2  }
0x80: {  	s0 =	rddreg [dreg:$0x0];
	s2 =	stileid.u32  }
0x81: {  	s1 =	rddreg [dreg:$0x1];
	p0 =	sne.s32 s2, $0x0  }
0x82: {  	s3 =	rddreg [dreg:$0x2];
	[bflag:$0x3] =	sbarrier.arrive $0xFFFF;
	s2 =	simm.s32 @!p0 $0x1C03  }
0x83: {  	[timem:s3], [sflag:s2] =	dma.local @!p0 [hbm:s0], s1  }
0x84: {  	s0 =	simm.s32 @!p0 $0x3  }
0x85: {  	_ =	swait.ge @!p0 [sflag:s0], s1  }
0x86: {  	s1 =	ssub.s32 @!p0 $0x0, s1;
	[sflag:s0] =	ssyncset.done @!p0 $0x0  }
0x87: {  	[sflag:s0] =	ssyncadd.s32 @!p0 s1  }
0x88: {  	[bflag:$0x3] =	sbarrier.arrive $0xFFFF  }
0x89: {  	_ =	shalt  }

// kernel: kernel.9.cloned.1.call-start
scs
__scs_entry_jumppad:
0x0: {  	(pc) =	sbr.rel $0x88, $3  }
0x1: {  	(tag) =	ssettag $0x0;
	lr =	simm.s32 $0x1  }
0x2: {  	[smem:$0x3F99] =	sst lr;
	_ =	strace $0xD0000000  }
0x3: {  	_ = 	snop  }
0x4: {  	_ = 	snop  }
0x5: {  	_ = 	snop  }
0x6: {  	_ = 	snop  }
0x7: {  	_ = 	snop  }
__scs_overlays_trampoline_lowered:
0x8: {  	[smem:$0x3FA8] =	sst s0  }
0x9: {  	[smem:$0x3FA9] =	sst s1  }
0xa: {  	[smem:$0x3FAA] =	sst s2  }
0xb: {  	[smem:$0x3FAB] =	sst s3  }
0xc: {  	[smem:$0x3FAC] =	sst s4  }
0xd: {  	[smem:$0x3FAD] =	sst s5  }
0xe: {  	[smem:$0x3FAE] =	sst s6  }
0xf: {  	[smem:$0x3FAF] =	sst s7  }
0x10: {  	[smem:$0x3FB0] =	sst s8  }
0x11: {  	[smem:$0x3FB1] =	sst s9;
	s0 =	simm.s32 @!p0 $0x0  }
0x12: {  	s1 =	sld [smem:$0x3F97];
	s0 =	simm.s32 @p0 $0x1  }
0x13: {  	[smem:$0x3FB2] =	sst s0;
	s0 =	simm.s32 @!p1 $0x0  }
0x14: {  	s2 =	sld [smem:$0x3F96];
	s0 =	simm.s32 @p1 $0x1  }
0x15: {  	[smem:$0x3FB3] =	sst s0;
	s0 =	simm.s32 @!p2 $0x0  }
0x16: {  	s3 =	sld [smem:$0x3FDB];
	s0 =	simm.s32 @p2 $0x1  }
0x17: {  	s4 =	simm.s32 $0x1BF5;
	[smem:$0x3FB5] =	sst s0  }
0x18: {  	s0 =	sld [smem:$0x3F98];
	_ =	swait.ge [sflag:s4], $0x0  }
0x19: {  	s7 =	sld [smem:$0x3F99]  }
0x1a: {  	s8 =	sadd.s32 $0xFFFFE003, lr  }
0x1b: {  	s9 =	sadd.s32 $0xFFFFFEF7, lr;
	s5 =	simm.s32 $0xFFFFFFFF;
	p2 =	slt.u32 s8, $0xFFFFF086  }
0x1c: {  	p1 =	slt.u32 s9, $0xF7A;
	s5 =	simm.s32 @!p2 $0x0  }
0x1d: {  	s5 =	simm.s32 @p1 $0x1;
	p0 =	seq.s32 s7, s2  }
0x1e: {  	s7 =	smul.u32 @!p0 $0xF7A, s2;
	p2 =	seq.s32 @!p0 s5, $0x0  }
0x1f: {  	s9 =	smul.u32 $0xF7A, s1;
	s8 =	simm.s32 @!p0 $0x1BF5;
	p2 =	por !p2, p0  }
0x20: {  	[sflag:s8] =	ssyncset.s32 @!p0 $0xFFFFF086;
	s6 =	sadd.s32 @!p0 s3, s7;
	s7 =	simm.s32 @!p0 $0x108  }
0x21: {  	s3 =	sadd.s32 s3, s9;
	s6 =	sadd.s32 @!p0 $0x88, s6;
	s7 =	simm.s32 @p2 $0x1082  }
0x22: {  	[simem:s7], [sflag:s8] =	dma.local @!p0 [hbm:s6], $0xF7A  }
0x23: {  	s9 =	sor.u32 $0xD0000000, s2;
	s6 =	simm.s32 $0x108;
	_ =	swait.ge @!p0 [sflag:s8], $0x0  }
0x24: {  	s3 =	sadd.s32 $0x88, s3;
	s6 =	simm.s32 @!p1 $0x1082;
	[sflag:s4] =	ssyncset.s32 $0xFFFFF086  }
0x25: {  	[simem:s6], [sflag:s4] =	dma.local [hbm:s3], $0xF7A  }
0x26: {  	[smem:$0x3F99] =	sst s1;
	(tag) =	ssettag s2;
	_ =	strace s9  }
0x27: {  	s1 =	sld [smem:$0x3FA9]  }
0x28: {  	s2 =	sld [smem:$0x3FAA]  }
0x29: {  	s4 =	sld [smem:$0x3FAC]  }
0x2a: {  	p0 =	seq.s32 s5, $0x0;
	s5 =	sld [smem:$0x3FAD]  }
0x2b: {  	s6 =	sld [smem:$0x3FAE]  }
0x2c: {  	s7 =	sld [smem:$0x3FAF]  }
0x2d: {  	s3 =	simm.s32 $0x108;
	s8 =	sld [smem:$0x3FB0]  }
0x2e: {  	s3 =	simm.s32 @!p0 $0x1082;
	s9 =	sld [smem:$0x3FB1]  }
0x2f: {  	lr =	sadd.s32 s0, s3;
	s0 =	sld [smem:$0x3FA8]  }
0x30: {  	s3 =	sld [smem:$0x3FAB]  }
0x31: {  	[smem:$0x3FB4] =	sst s10  }
0x32: {  	s10 =	sld [smem:$0x3FB2];
	_ =	sdelay $0x3  }
0x33: {  	p0 =	seq.s32 s10, $0x1;
	s10 =	sld [smem:$0x3FB4];
	_ =	sdelay $0x3  }
0x34: {  	[smem:$0x3FB4] =	sst s10  }
0x35: {  	s10 =	sld [smem:$0x3FB3];
	_ =	sdelay $0x3  }
0x36: {  	p1 =	seq.s32 s10, $0x1;
	s10 =	sld [smem:$0x3FB4];
	_ =	sdelay $0x3  }
0x37: {  	[smem:$0x3FB4] =	sst s10  }
0x38: {  	s10 =	sld [smem:$0x3FB5]  }
0x39: {  	_ = 	snop;
	(pc) =	sbr.ind lr, $3  }
0x3a: {  	_ = 	snop  }
0x3b: {  	_ = 	snop  }
0x3c: {  	p2 =	seq.s32 s10, $0x1;
	s10 =	sld [smem:$0x3FB4]  }
0x3d: {  	_ =	shalt  }
0x3e: {  	_ =	shalt  }
0x3f: {  	_ =	shalt  }
0x40: {  	_ =	shalt  }
0x41: {  	_ =	shalt  }
0x42: {  	_ =	shalt  }
0x43: {  	_ =	shalt  }
0x44: {  	_ =	shalt  }
0x45: {  	_ =	shalt  }
0x46: {  	_ =	shalt  }
0x47: {  	_ =	shalt  }
0x48: {  	_ =	shalt  }
0x49: {  	_ =	shalt  }
0x4a: {  	_ =	shalt  }
0x4b: {  	_ =	shalt  }
0x4c: {  	_ =	shalt  }
0x4d: {  	_ =	shalt  }
0x4e: {  	_ =	shalt  }
0x4f: {  	_ =	shalt  }
0x50: {  	_ =	shalt  }
0x51: {  	_ =	shalt  }
0x52: {  	_ =	shalt  }
0x53: {  	_ =	shalt  }
0x54: {  	_ =	shalt  }
0x55: {  	_ =	shalt  }
0x56: {  	_ =	shalt  }
0x57: {  	_ =	shalt  }
0x58: {  	_ =	shalt  }
0x59: {  	_ =	shalt  }
0x5a: {  	_ =	shalt  }
0x5b: {  	_ =	shalt  }
0x5c: {  	_ =	shalt  }
0x5d: {  	_ =	shalt  }
0x5e: {  	_ =	shalt  }
0x5f: {  	_ =	shalt  }
0x60: {  	_ =	shalt  }
0x61: {  	_ =	shalt  }
0x62: {  	_ =	shalt  }
0x63: {  	_ =	shalt  }
0x64: {  	_ =	shalt  }
0x65: {  	_ =	shalt  }
0x66: {  	_ =	shalt  }
0x67: {  	_ =	shalt  }
0x68: {  	_ =	shalt  }
0x69: {  	_ =	shalt  }
0x6a: {  	_ =	shalt  }
0x6b: {  	_ =	shalt  }
0x6c: {  	_ =	shalt  }
0x6d: {  	_ =	shalt  }
0x6e: {  	_ =	shalt  }
0x6f: {  	_ =	shalt  }
0x70: {  	_ =	shalt  }
0x71: {  	_ =	shalt  }
0x72: {  	_ =	shalt  }
0x73: {  	_ =	shalt  }
0x74: {  	_ =	shalt  }
0x75: {  	_ =	shalt  }
0x76: {  	_ =	shalt  }
0x77: {  	_ =	shalt  }
0x78: {  	_ =	shalt  }
0x79: {  	_ =	shalt  }
0x7a: {  	_ =	shalt  }
0x7b: {  	_ =	shalt  }
0x7c: {  	_ =	shalt  }
0x7d: {  	_ =	shalt  }
0x7e: {  	_ =	shalt  }
0x7f: {  	_ =	shalt  }
0x80: {  	_ =	shalt  }
0x81: {  	_ =	shalt  }
0x82: {  	_ =	shalt  }
0x83: {  	_ =	shalt  }
0x84: {  	_ =	shalt  }
0x85: {  	_ =	shalt  }
0x86: {  	_ =	shalt  }
0x87: {  	_ =	shalt  }
.Lfunc_end0:
.L_simem_size_0:
called_computation.1_lowered:
.L_overlay_start_0:
0x88: {  	s2 =	sld [smem:$0x3FD9]  }
0x89: {  	s3 =	sld [smem:$0x3FFE];
	_ =	sdelay $0x1  }
0x8a: {  	s1 =	srdreg.scid  }
0x8b: {  	s0 =	sand.u32 $0x1, s1  }
0x8c: {  	s14 =	sshll.u32 s0, $0xA;
	s2 =	sadd.s32 s3, s2  }
0x8d: {  	s2 =	sadd.s32 s2, s14  }
0x8e: {  	[smem:$0x3FC0] =	sst s2  }
0x8f: {  	_ = 	snop  }
0x90: {  	s2 =	sld [smem:$0x3FD0];
	_ =	sdelay $0x2  }
0x91: {  	s15 =	simm.s32 $0xA;
	s4 =	simm.s32 $0x10  }
0x92: {  	[smem:s4], [sflag:s15] =	dma.local [hbm:s2], $0x1  }
0x93: {  	_ =	swait.eq [sflag:s15], $0x1  }
0x94: {  	[sflag:s15] =	ssyncset.done $0x0  }
0x95: {  	[sflag:s15] =	ssyncadd.s32 $0xFFFFFFFF  }
0x96: {  	s16 =	sld [smem:$0x10];
	(tm) =	ssettm $0x1  }
0x97: {  	s17 =	sld [smem:$0x3FFB];
	_ =	sdelay $0x3  }
0x98: {  	_ =	strace s17  }
0x99: {  	s3 =	sld [smem:$0x3FFC];
	_ =	sdelay $0x3  }
0x9a: {  	_ =	strace s3  }
0x9b: {  	s3 =	sld [smem:$0x3FFD];
	_ =	sdelay $0x3  }
0x9c: {  	_ =	strace s3  }
0x9d: {  	_ =	strace $0x8FFFFFFF  }
0x9e: {  	s18 =	sld [smem:$0x3FDB];
	_ =	sdelay $0x1  }
0x9f: {  	s19 =	simm.s32 $_scs_section_size  }
0xa0: {  	s5 =	simm.s32 $_size__tile_overlayer_lowered;
	s6 =	simm.s32 $_tile_overlayer_lowered  }
0xa1: {  	s22 =	simm.s32 $0x1BFF;
	s21 =	sshll.u32 s6, $0x1;
	s3 =	sadd.s32 s19, s18  }
0xa2: {  	s7 =	simm.s32 $0x0;
	s20 =	sshll.u32 s5, $0x1;
	s5 =	sadd.s32 s21, s3  }
0xa3: {  	[timem:s7], [sflag:s22] =	dma.local [hbm:s5], s20  }
0xa4: {  	_ =	swait.ge [sflag:s22], s20  }
0xa5: {  	s4 =	ssub.s32 $0x0, s20;
	[sflag:s22] =	ssyncset.done $0x0  }
0xa6: {  	[sflag:s22] =	ssyncadd.s32 s4;
	_ =	sdelay $0x1  }
0xa7: {  	s23 =	simm.s32 $0x1B8B  }
0xa8: {  	_ =	swait.ge [sflag:s23], $0x1  }
0xa9: {  	[sflag:s23] =	ssyncset.done $0x0  }
0xaa: {  	s25 =	simm.s32 $0x1B8E;
	s24 =	sld [smem:$0x3FFE];
	[sflag:s23] =	ssyncadd.s32 $0xFFFFFFFF  }
0xab: {  	s26 =	simm.s32 $execute0_lowered;
	[smem:$0x3FD2] =	sst s25  }
0xac: {  	s5 =	sshll.u32 s26, $0x1;
	_ =	strace $0x80000049;
	[dreg:$0x1] =	wrdreg $0xFFFFFFFF  }
0xad: {  	s28 =	simm.s32 $_size_execute0_lowered;
	s3 =	sadd.s32 s3, s5;
	[dreg:$0x0] =	wrdreg $0x0  }
0xae: {  	s5 =	sshll.u32 s28, $0x1;
	[dreg:$0x2] =	wrdreg s3  }
0xaf: {  	[dreg:$0x3] =	wrdreg s5  }
0xb0: {  	[dreg:$0x4] =	wrdreg $0xC0  }
0xb1: {  	_ =	task [dreg:s7], $0x5FFFF  }
0xb2: {  	[dreg:$0x1] =	wrdreg $0xFFFFFFFF  }
0xb3: {  	[dreg:$0x0] =	wrdreg $0x60  }
0xb4: {  	[dreg:$0x2] =	wrdreg s24  }
0xb5: {  	[dreg:$0x3] =	wrdreg s16  }
0xb6: {  	[dreg:$0x4] =	wrdreg $0x9  }
0xb7: {  	_ =	task.clear_ibuf [dreg:s7], $0x5FFFF;
	_ =	strace $0x90000049  }
0xb8: {  	s29 =	simm.s32 $0x9;
	_ =	strace $0x8000004B  }
0xb9: {  	_ =	swait.ge [sflag:s29], $0x1  }
0xba: {  	[sflag:s29] =	ssyncadd.s32 $0xFFFFFFFF  }
0xbb: {  	_ =	strace $0x9000004B  }
0xbc: {  	_ =	sfence  }
0xbd: {  	s30 =	sld [smem:$0x0];
	_ =	sdelay $0x2  }
0xbe: {  	s31 =	sshll.u32 s1, $0xD;
	s1 =	sshrl.u32 s1, $0x2  }
0xbf: {  	s3 =	sand.u32 $0x4000, s31;
	s1 =	sadd.s32 s1, s30  }
0xc0: {  	s0 =	sor.u32 s3, s0;
	s1 =	sshll.u32 s1, $0x11  }
0xc1: {  	s0 =	sor.u32 s1, s0  }
0xc2: {  	s0 =	sadd.s32 $0x8F2B, s0  }
0xc3: {  	[sflag:s0] =	ssyncadd.remote.s32 $0x1  }
0xc4: {  	_ =	sfence.sel $0xFFFF  }
0xc5: {  	[dreg:$0x0] =	wrdreg $0xFFFFFFFF;
	(pc) =	sbr.abs _section_cstart, $3  }
0xc6: {  	[dreg:$0x1] =	wrdreg $0xFFFFFFFF  }
0xc7: {  	_ =	task.clear_ibuf [dreg:s7], $0x2FFFF;
	_ =	strace $0x9FFFFFFF  }
0xc8: {  	(tm) =	ssettm $0x7FFFFFFF  }
0xc9: {  	_ =	shalt  }
tec
execute0_lowered:
.L_overlay_start_1:
0x0: {  	(tag) =	ssettag $0x1  }
0x1: {  	s0 =	rddreg [dreg:$0x0]  }
0x2: {  	s5 =	rddreg [dreg:$0x1];
	s3 =	srdreg.scid  }
0x3: {  	s2 =	simm.s32 $0x0;
	s1 =	stileid.u32;
	s26 =	simm.s32 $0x880  }
0x4: {  	s10 =	simm.s32 $0x1880;
	s11 =	simm.s32 $0x2080;
	s12 =	simm.s32 $0x2880  }
0x5: {  	s13 =	simm.s32 $0x3080;
	s14 =	simm.s32 $0x3880;
	s15 =	simm.s32 $0x4080  }
0x6: {  	s16 =	simm.s32 $0x4880;
	s17 =	simm.s32 $0x5080;
	s18 =	simm.s32 $0x5880  }
0x7: {  	s19 =	simm.s32 $0x6080;
	s20 =	simm.s32 $0x6880;
	s21 =	simm.s32 $0x7080  }
0x8: {  	s22 =	simm.s32 $0x7880;
	s28 =	simm.s32 $0xA080;
	s29 =	simm.s32 $0xA880  }
0x9: {  	s30 =	simm.s32 $0xB080;
	s31 =	simm.s32 $0xB880;
	s3 =	sand.u32 $0x1, s3  }
0xa: {  	[smem:$0x7FF] =	sst s2;
	s4 =	sshll.u32 s1, $0x4;
	s6 =	sshll.u32 s3, $0x3  }
0xb: {  	_ =	strace $0x8000004A;
	s23 =	ssub.s32 $0x2, s3;
	s3 =	sadd.s32 $0x9800, s0  }
0xc: {  	[dreg:$0x5] =	wrdreg s26;
	s26 =	simm.s32 $0x9880;
	s4 =	sor.u32 s6, s4  }
0xd: {  	s8 =	sshrl.u32 s23, $0x1;
	s7 =	sadd.s32 s4, s0;
	s9 =	smul.u32 $0x300, s4  }
0xe: {  	s6 =	ssub.s32 s23, s8;
	s4 =	sadd.s32 $0x9900, s0;
	s8 =	simm.s32 $0x80  }
0xf: {  	s23 =	simm.s32 $0x8080;
	s24 =	sadd.s32 $0x9600, s7;
	s6 =	smax.u32 s6, $0x1  }
0x10: {  	v2 =	vlaneseq.u32;
	s7 =	simm.s32 $0x2;
	[dreg:$0x3] =	wrdreg s24;
	s25 =	sadd.s32 s5, s9  }
0x11: {  	vm0 =	vmmov $0xffff;
	v1 =	vshrl.u32 v2, $0x3;
	s5 =	sadd.s32 $0x9A00, s0;
	s9 =	simm.s32 $0x1080;
	s24 =	simm.s32 $0x8880  }
0x12: {  	v0 =	vand.u32 $0x7, v2;
	v2 =	vor.u32 $0x8, v2;
	v1 =	vmul.u32 $0x8, v1;
	s0 =	simm.s32 $0x1;
	[dreg:$0x4] =	wrdreg s25;
	s25 =	simm.s32 $0x9080  }
.LBB2_1:
0x13: {  	s1 =	rddreg [dreg:$0x3]  }
0x14: {  	[tilespmem:s2], [sflag:$0x2] =	stream.linear.gather [hbm4b:s1+s2], $0x40, $0x38;
	[tilespmem:$0xC080] =	vst v63  }
0x15: {  	_ =	swait.ge [sflag:s7], $0x40  }
0x16: {  	[sflag:s7] =	ssyncset.done $0x0  }
0x17: {  	[sflag:s7] =	ssyncadd.s32 $0xFFFFFFC0  }
0x18: {  	v3 =	vld [tilespmem:$0x0];
	_ =	sdelay $0x4  }
0x19: {  	v4 =	vshrl.u32 v3, $0x3  }
0x1a: {  	v4 =	vmul.u32 $0x30, v4  }
0x1b: {  	v3 =	vand.u32 $0x7, v3  }
0x1c: {  	v3 =	vor.u32 v3, v4  }
0x1d: {  	v4 =	vperm.xlane v3, v0;
	_ =	sdelay $0x1  }
0x1e: {  	v4 =	vadd.s32 v1, v4;
	_ =	sdelay $0x3  }
0x1f: {  	v3 =	vperm.xlane v3, v2  }
0x20: {  	[tilespmem:s8], [sflag:$0x1] =	stream.indirect_vreg.gather [hbm4b:s3+s2], $0x80, v4, vm0, $0xb8;
	[tilespmem:$0xC080] =	vst v63  }
0x21: {  	s1 =	rddreg [dreg:$0x5];
	v3 =	vadd.s32 v1, v3  }
0x22: {  	[tilespmem:s1], [sflag:$0x1] =	stream.indirect_vreg.gather [hbm4b:s4+s2], $0x80, v4, vm0, $0xb8;
	[tilespmem:$0xC080] =	vst v63  }
0x23: {  	_ = 	snop  }
0x24: {  	[tilespmem:s9], [sflag:$0x1] =	stream.indirect_vreg.gather [hbm4b:s5+s2], $0x80, v4, vm0, $0xb8;
	[tilespmem:$0xC080] =	vst v63  }
0x25: {  	_ = 	snop  }
0x26: {  	[tilespmem:s10], [sflag:$0x1] =	stream.indirect_vreg.gather [hbm4b:s3+s2], $0x80, v3, vm0, $0xb8;
	[tilespmem:$0xC080] =	vst v63  }
0x27: {  	_ = 	snop  }
0x28: {  	[tilespmem:s11], [sflag:$0x1] =	stream.indirect_vreg.gather [hbm4b:s4+s2], $0x80, v3, vm0, $0xb8;
	[tilespmem:$0xC080] =	vst v63  }
0x29: {  	_ = 	snop  }
0x2a: {  	[tilespmem:s12], [sflag:$0x1] =	stream.indirect_vreg.gather [hbm4b:s5+s2], $0x80, v3, vm0, $0xb8;
	[tilespmem:$0xC080] =	vst v63  }
0x2b: {  	v3 =	vld [tilespmem:$0x10];
	_ =	sdelay $0x4  }
0x2c: {  	v61 =	vshrl.u32 v3, $0x3  }
0x2d: {  	v4 =	vmul.u32 $0x30, v61  }
0x2e: {  	v3 =	vand.u32 $0x7, v3  }
0x2f: {  	v3 =	vor.u32 v3, v4  }
0x30: {  	v4 =	vperm.xlane v3, v0;
	_ =	sdelay $0x1  }
0x31: {  	v4 =	vadd.s32 v1, v4;
	_ =	sdelay $0x3  }
0x32: {  	v3 =	vperm.xlane v3, v2  }
0x33: {  	[tilespmem:s13], [sflag:$0x1] =	stream.indirect_vreg.gather [hbm4b:s3+s2], $0x80, v4, vm0, $0xb8;
	[tilespmem:$0xC080] =	vst v63  }
0x34: {  	v3 =	vadd.s32 v1, v3  }
0x35: {  	[tilespmem:s14], [sflag:$0x1] =	stream.indirect_vreg.gather [hbm4b:s4+s2], $0x80, v4, vm0, $0xb8;
	[tilespmem:$0xC080] =	vst v63  }
0x36: {  	_ = 	snop  }
0x37: {  	[tilespmem:s15], [sflag:$0x1] =	stream.indirect_vreg.gather [hbm4b:s5+s2], $0x80, v4, vm0, $0xb8;
	[tilespmem:$0xC080] =	vst v63  }
0x38: {  	_ = 	snop  }
0x39: {  	[tilespmem:s16], [sflag:$0x1] =	stream.indirect_vreg.gather [hbm4b:s3+s2], $0x80, v3, vm0, $0xb8;
	[tilespmem:$0xC080] =	vst v63  }
0x3a: {  	_ = 	snop  }
0x3b: {  	[tilespmem:s17], [sflag:$0x1] =	stream.indirect_vreg.gather [hbm4b:s4+s2], $0x80, v3, vm0, $0xb8;
	[tilespmem:$0xC080] =	vst v63  }
0x3c: {  	_ = 	snop  }
0x3d: {  	[tilespmem:s18], [sflag:$0x1] =	stream.indirect_vreg.gather [hbm4b:s5+s2], $0x80, v3, vm0, $0xb8;
	[tilespmem:$0xC080] =	vst v63  }
0x3e: {  	v3 =	vld [tilespmem:$0x20];
	_ =	sdelay $0x4  }
0x3f: {  	v62 =	vshrl.u32 v3, $0x3  }
0x40: {  	v4 =	vmul.u32 $0x30, v62  }
0x41: {  	v3 =	vand.u32 $0x7, v3  }
0x42: {  	v3 =	vor.u32 v3, v4  }
0x43: {  	v4 =	vperm.xlane v3, v0;
	_ =	sdelay $0x1  }
0x44: {  	v4 =	vadd.s32 v1, v4;
	_ =	sdelay $0x3  }
0x45: {  	v3 =	vperm.xlane v3, v2  }
0x46: {  	[tilespmem:s19], [sflag:$0x1] =	stream.indirect_vreg.gather [hbm4b:s3+s2], $0x80, v4, vm0, $0xb8;
	[tilespmem:$0xC080] =	vst v63  }
0x47: {  	v3 =	vadd.s32 v1, v3  }
0x48: {  	[tilespmem:s20], [sflag:$0x1] =	stream.indirect_vreg.gather [hbm4b:s4+s2], $0x80, v4, vm0, $0xb8;
	[tilespmem:$0xC080] =	vst v63  }
0x49: {  	_ = 	snop  }
0x4a: {  	[tilespmem:s21], [sflag:$0x1] =	stream.indirect_vreg.gather [hbm4b:s5+s2], $0x80, v4, vm0, $0xb8;
	[tilespmem:$0xC080] =	vst v63  }
0x4b: {  	_ = 	snop  }
0x4c: {  	[tilespmem:s22], [sflag:$0x1] =	stream.indirect_vreg.gather [hbm4b:s3+s2], $0x80, v3, vm0, $0xb8;
	[tilespmem:$0xC080] =	vst v63  }
0x4d: {  	_ = 	snop  }
0x4e: {  	[tilespmem:s23], [sflag:$0x1] =	stream.indirect_vreg.gather [hbm4b:s4+s2], $0x80, v3, vm0, $0xb8;
	[tilespmem:$0xC080] =	vst v63  }
0x4f: {  	_ = 	snop  }
0x50: {  	[tilespmem:s24], [sflag:$0x1] =	stream.indirect_vreg.gather [hbm4b:s5+s2], $0x80, v3, vm0, $0xb8;
	[tilespmem:$0xC080] =	vst v63  }
0x51: {  	v3 =	vld [tilespmem:$0x30];
	_ =	sdelay $0x4  }
0x52: {  	v63 =	vshrl.u32 v3, $0x3  }
0x53: {  	v4 =	vmul.u32 $0x30, v63  }
0x54: {  	v3 =	vand.u32 $0x7, v3  }
0x55: {  	v3 =	vor.u32 v3, v4  }
0x56: {  	v4 =	vperm.xlane v3, v0;
	_ =	sdelay $0x1  }
0x57: {  	v4 =	vadd.s32 v1, v4;
	_ =	sdelay $0x3  }
0x58: {  	v3 =	vperm.xlane v3, v2  }
0x59: {  	[tilespmem:s25], [sflag:$0x1] =	stream.indirect_vreg.gather [hbm4b:s3+s2], $0x80, v4, vm0, $0xb8;
	[tilespmem:$0xC080] =	vst v63  }
0x5a: {  	v3 =	vadd.s32 v1, v3  }
0x5b: {  	[tilespmem:s26], [sflag:$0x1] =	stream.indirect_vreg.gather [hbm4b:s4+s2], $0x80, v4, vm0, $0xb8;
	[tilespmem:$0xC080] =	vst v63  }
0x5c: {  	_ = 	snop  }
0x5d: {  	[tilespmem:s28], [sflag:$0x1] =	stream.indirect_vreg.gather [hbm4b:s5+s2], $0x80, v4, vm0, $0xb8;
	[tilespmem:$0xC080] =	vst v63  }
0x5e: {  	_ = 	snop  }
0x5f: {  	[tilespmem:s29], [sflag:$0x1] =	stream.indirect_vreg.gather [hbm4b:s3+s2], $0x80, v3, vm0, $0xb8;
	[tilespmem:$0xC080] =	vst v63  }
0x60: {  	_ = 	snop  }
0x61: {  	[tilespmem:s30], [sflag:$0x1] =	stream.indirect_vreg.gather [hbm4b:s4+s2], $0x80, v3, vm0, $0xb8;
	[tilespmem:$0xC080] =	vst v63  }
0x62: {  	_ = 	snop  }
0x63: {  	[tilespmem:s31], [sflag:$0x1] =	stream.indirect_vreg.gather [hbm4b:s5+s2], $0x80, v3, vm0, $0xb8;
	[tilespmem:$0xC080] =	vst v63  }
0x64: {  	_ =	swait.ge [sflag:s0], $0xC000  }
0x65: {  	p0 =	sne.s32 s6, $0x1;
	[sflag:s0] =	ssyncset.done $0x0  }
.Ltmp0:
0x66: {  	s1 =	rddreg [dreg:$0x4];
	[sflag:s0] =	ssyncadd.s32 $0xFFFF4000;
	(pc) =	sbr.rel @p0 .LBB2_1-.Ltmp0, $4  }
0x67: {  	[hbm4b:s1+s2] =	stream.linear.scatter [tilespmem:s8], [sflag:$0x2], $0xC000, $0x38;
	[tilespmem:$0xC080] =	vst v63  }
0x68: {  	_ =	swait.ge [sflag:s7], $0xC000  }
0x69: {  	[sflag:s7] =	ssyncset.done $0x0  }
0x6a: {  	s6 =	sadd.s32 $0xFFFFFFFF, s6;
	[sflag:s7] =	ssyncadd.s32 $0xFFFF4000  }
0x6b: {  	_ =	sfence.sel $0x180000  }
0x6c: {  	[bflag:$0x0] =	sbarrier.arrive $0xFFFF  }
0x6d: {  	_ =	strace $0x9000004A  }
0x6e: {  	s0 =	stileid.u32;
	[bflag:$0x2] =	sbarrier.arrive $0xFFFF  }
0x6f: {  	p0 =	sne.s32 s0, $0x0;
	s0 =	rddreg [dreg:$0x2]  }
0x70: {  	s0 =	sadd.s32 @!p0 $0x100000, s0  }
0x71: {  	[sflag:s0] =	ssyncadd.tile.s32 @!p0 $0x1;
	_ =	shalt  }
.Lfunc_end2:
_tile_overlayer_lowered:
.L_overlay_start_2:
0x72: {  	(tag) =	ssettag $0x2  }
0x73: {  	s0 =	rddreg [dreg:$0x0];
	s2 =	stileid.u32  }
0x74: {  	s1 =	rddreg [dreg:$0x1];
	p0 =	sne.s32 s2, $0x0  }
0x75: {  	s3 =	rddreg [dreg:$0x2];
	[bflag:$0x3] =	sbarrier.arrive $0xFFFF;
	s2 =	simm.s32 @!p0 $0x1C02  }
0x76: {  	[timem:s3], [sflag:s2] =	dma.local @!p0 [hbm:s0], s1  }
0x77: {  	s0 =	simm.s32 @!p0 $0x2  }
0x78: {  	_ =	swait.ge @!p0 [sflag:s0], s1  }
0x79: {  	s1 =	ssub.s32 @!p0 $0x0, s1;
	[sflag:s0] =	ssyncset.done @!p0 $0x0  }
0x7a: {  	[sflag:s0] =	ssyncadd.s32 @!p0 s1  }
0x7b: {  	[bflag:$0x3] =	sbarrier.arrive $0xFFFF  }
0x7c: {  	_ =	shalt  }

</sc_bundles>
